<compile_context>
chip_gen: v7x
topology: tpu7x:2x2x1
jax: 0.10.2.dev20260603
libtpu: 0.0.44.dev20260713+nightly
codegen_flags: <defaults>
</compile_context>

<pallas_src>
import functools

import jax
import jax.numpy as jnp
from jax import lax
from jax.experimental import pallas as pl
from jax.experimental.pallas import tpu as pltpu
from jax.experimental.pallas import tpu_sc as plsc

K = 8192
D = 256
N_TOK = 16384
BETA = 0.25
DEAD_THRESHOLD = 2

BT = 1024
KCW = 512
WINDOWS = ((0, 4096), (4096, 4096))


def _vq_argmin_body(f2_ref, hi_ref, lo_ref, a_ref, csq_ref,
                    idx_ref, usage_ref, closs_ref, qloss_ref, perp_ref,
                    dead_ref):
    step = pl.program_id(0)
    lhs = f2_ref[...]
    a_col = a_ref[...]

    acc_v = None
    acc_ve = None
    acc_i = None
    for (k0, sz) in WINDOWS:
        wv = None
        wi = None
        for c in range(sz // KCW):
            o = k0 + c * KCW
            hi = hi_ref[pl.ds(o, KCW), :]
            lo = lo_ref[pl.ds(o, KCW), :]
            dn = (((1,), (1,)), ((), ()))
            m2 = (lax.dot_general(lhs, hi, dn,
                                  preferred_element_type=jnp.float32)
                  + lax.dot_general(lhs, lo, dn,
                                    preferred_element_type=jnp.float32))
            dist = (a_col - m2) + csq_ref[pl.ds(o, KCW)][None, :]
            cv = jnp.min(dist, axis=1)
            iota = lax.broadcasted_iota(jnp.int32, (BT, KCW), 1) + o
            ci = jnp.min(jnp.where(dist == cv[:, None], iota, K), axis=1)
            if wv is None:
                wv, wi = cv, ci
            else:
                adv = cv < wv
                wv = jnp.where(adv, cv, wv)
                wi = jnp.where(adv, ci, wi)
        if acc_v is None:
            acc_v, acc_ve, acc_i = wv, wv, wi
        else:
            ac = acc_v.astype(jnp.bfloat16).astype(jnp.float32)
            keep = (ac < wv) | ((ac == wv) & (acc_i < wi))
            acc_v = jnp.where(keep, ac, wv)
            acc_ve = jnp.where(keep, acc_ve, wv)
            acc_i = jnp.where(keep, acc_i, wi)
    idx_ref[...] = acc_i

    hi_iota = lax.broadcasted_iota(jnp.int32, (BT, K // 64), 1)
    lo_iota = lax.broadcasted_iota(jnp.int32, (BT, 64), 1)
    oh_hi = ((acc_i[:, None] >> 6) == hi_iota).astype(jnp.float32)
    oh_lo = ((acc_i[:, None] & 63) == lo_iota).astype(jnp.float32)
    cnt = lax.dot_general(oh_hi, oh_lo, (((0,), (0,)), ((), ())),
                          preferred_element_type=jnp.float32)

    @pl.when(step == 0)
    def _():
        usage_ref[...] = jnp.zeros((K // 64, 64), jnp.float32)
        closs_ref[0, 0] = 0.0

    usage_ref[...] += cnt
    closs_ref[0, 0] += jnp.sum(acc_ve)

    @pl.when(step == (N_TOK // BT) - 1)
    def _():
        cl = closs_ref[0, 0] / jnp.float32(N_TOK * D)
        closs_ref[0, 0] = cl
        qloss_ref[0, 0] = cl + BETA * cl
        usage = usage_ref[...]
        tot = jnp.maximum(jnp.sum(usage), 1.0)
        probs = usage / tot
        safe = jnp.where(probs > 0, probs, 1.0)
        perp_ref[0, 0] = jnp.exp(-jnp.sum(probs * jnp.log(safe)))
        dead_ref[0, 0] = jnp.sum(
            (usage < float(DEAD_THRESHOLD)).astype(jnp.int32))


def _argmin_call(f2_bf, cb_hi, cb_lo, a, csq):
    scal = pl.BlockSpec(memory_space=pltpu.SMEM)
    return pl.pallas_call(
        _vq_argmin_body,
        grid=(N_TOK // BT,),
        in_specs=[
            pl.BlockSpec((BT, D), lambda i: (i, 0)),
            pl.BlockSpec((K, D), lambda i: (0, 0)),
            pl.BlockSpec((K, D), lambda i: (0, 0)),
            pl.BlockSpec((BT, 1), lambda i: (i, 0)),
            pl.BlockSpec((K,), lambda i: (0,)),
        ],
        out_specs=[
            pl.BlockSpec((BT,), lambda i: (i,)),
            pl.BlockSpec((K // 64, 64), lambda i: (0, 0)),
            scal, scal, scal, scal,
        ],
        out_shape=[
            jax.ShapeDtypeStruct((N_TOK,), jnp.int32),
            jax.ShapeDtypeStruct((K // 64, 64), jnp.float32),
            jax.ShapeDtypeStruct((1, 1), jnp.float32),
            jax.ShapeDtypeStruct((1, 1), jnp.float32),
            jax.ShapeDtypeStruct((1, 1), jnp.float32),
            jax.ShapeDtypeStruct((1, 1), jnp.int32),
        ],
    )(f2_bf, cb_hi, cb_lo, a, csq)


def _make_gather():
    info = plsc.get_sparse_core_info()
    nc, ns = info.num_cores, info.num_subcores
    nw = nc * ns
    bw = N_TOK // nw
    ch = 128
    mesh = plsc.VectorSubcoreMesh(core_axis_name="c", subcore_axis_name="s")

    @functools.partial(
        pl.kernel, mesh=mesh,
        out_type=jax.ShapeDtypeStruct((N_TOK, D), jnp.float32),
        scratch_types=[
            pltpu.VMEM((ch,), jnp.int32),
            pltpu.VMEM((ch, D), jnp.float32),
            pltpu.SemaphoreType.DMA,
        ],
    )
    def gather(cb_hbm, idx_hbm, out_hbm, idx_v, rows_v, sem):
        wid = lax.axis_index("s") * nc + lax.axis_index("c")
        base = wid * bw
        for j in range(bw // ch):
            off = base + j * ch
            pltpu.sync_copy(idx_hbm.at[pl.ds(off, ch)], idx_v)
            pltpu.async_copy(cb_hbm.at[idx_v], rows_v, sem).wait()
            pltpu.sync_copy(rows_v, out_hbm.at[pl.ds(off, ch)])

    return gather


_gather_cache = []


def _gather_rows(codebook, idx):
    if not _gather_cache:
        _gather_cache.append(_make_gather())
    return _gather_cache[0](codebook, idx)


def kernel(ze, codebook):
    b, c, h, w = ze.shape
    z = jnp.transpose(ze, (0, 2, 3, 1))
    flat = z.reshape(-1, D)
    f2_bf = (2.0 * flat).astype(jnp.bfloat16)
    cb_hi32 = codebook.astype(jnp.bfloat16).astype(jnp.float32)
    cb_hi = cb_hi32.astype(jnp.bfloat16)
    cb_lo = (codebook - cb_hi32).astype(jnp.bfloat16)
    a = jnp.sum(flat ** 2, axis=1, keepdims=True)
    csq = jnp.sum(codebook ** 2, axis=1)

    idx, usage2d, closs, qloss, perp, dead = _argmin_call(
        f2_bf, cb_hi, cb_lo, a, csq)
    usage = usage2d.reshape(K)
    zq_flat = _gather_rows(codebook, idx)

    zq = jnp.transpose(zq_flat.reshape(b, h, w, c), (0, 3, 1, 2))
    idx_img = idx.reshape(b, h, w)
    return (zq, idx_img,
            qloss.reshape(()), closs.reshape(()), closs.reshape(()),
            perp.reshape(()), dead.reshape(()), usage)

# --- scband reference (transcript-rebuilt; emitter-appended) ---
"""Pipeline reference for scband-vector-quantizer-21337397527271 (READ-ONLY COPY).

The authoritative reference and input builder live on the scoring server;
editing this copy changes nothing except your own understanding.
"""

import jax, jax.numpy as jnp
import numpy as np

K = 8192
D = 256
BETA = 0.25
DEAD_THRESHOLD = 2


def setup_inputs(seed: int = 0) -> dict:
    key = jax.random.key(seed)
    k1, k2 = jax.random.split(key)
    ze = jax.random.normal(k1, (16, 256, 32, 32), dtype=jnp.float32)
    codebook = jax.random.uniform(k2, (K, D), minval=-1.0 / K, maxval=1.0 / K, dtype=jnp.float32)
    return {"ze": ze, "codebook": codebook}


def reference(ze, codebook):
    # permute (B,C,H,W) -> (B,H,W,C) and flatten
    z = jnp.transpose(ze, (0, 2, 3, 1))
    flat = z.reshape(-1, D)
    # squared euclidean distances to codebook entries
    dist = (jnp.sum(flat ** 2, axis=1, keepdims=True)
            - 2.0 * flat @ codebook.T
            + jnp.sum(codebook ** 2, axis=1))
    idx = jnp.argmin(dist, axis=1)
    zq_flat = jnp.take(codebook, idx, axis=0)
    zq = jnp.transpose(zq_flat.reshape(z.shape), (0, 3, 1, 2))
    codebook_loss = jnp.mean((zq - jax.lax.stop_gradient(ze)) ** 2)
    commitment_loss = jnp.mean((ze - jax.lax.stop_gradient(zq)) ** 2)
    q_loss = codebook_loss + BETA * commitment_loss
    zq_st = ze + jax.lax.stop_gradient(zq - ze)
    # stats
    usage = jnp.bincount(idx, minlength=K, length=K).astype(jnp.float32)
    probs = usage / jnp.maximum(usage.sum(), 1.0)
    safe = jnp.where(probs > 0, probs, 1.0)
    perplexity = jnp.exp(-jnp.sum(probs * jnp.log(safe)))
    dead = jnp.sum(usage < DEAD_THRESHOLD).astype(jnp.int32)
    idx_img = idx.reshape(ze.shape[0], ze.shape[2], ze.shape[3])
    return (zq_st, idx_img, q_loss, codebook_loss, commitment_loss, perplexity, dead, usage)

if __name__ == "__main__":
    import jax
    _d = setup_inputs()
    print(jax.jit(kernel)(*tuple(_d.values())))

</pallas_src>

<mosaic_0001>
#map = affine_map<(d0, d1) -> (0, 0)>
#map1 = affine_map<(d0, d1) -> (0)>
module attributes {stable_mosaic.version = 14 : i64} {
  func.func @gather(%arg0: i32, %arg1: i32, %arg2: memref<8192x256xf32, #tpu.memory_space<hbm>>, %arg3: memref<16384xi32, #tpu.memory_space<hbm>>, %arg4: memref<16384x256xf32, #tpu.memory_space<hbm>>, %arg5: memref<128xi32, #tpu.memory_space<vmem>>, %arg6: memref<128x256xf32, #tpu.memory_space<vmem>>, %arg7: memref<!tpu.dma_semaphore, #tpu.memory_space<semaphore_mem>>) attributes {dimension_semantics = [#tpu.dimension_semantics<core_parallel>, #tpu.dimension_semantics<subcore_parallel>], iteration_bounds = array<i64: 2, 16>, scalar_prefetch = 0 : i64, scratch_operands = 3 : i64, tpu.core_type = #tpu.core_type<sc_vector_subcore>, window_params = [{transform_indices = #map}, {transform_indices = #map1}, {transform_indices = #map}]} {
    %mul3A = arith.constant 2 : i32
    %mul3A_0 = arith.muli %arg1, %mul3A : i32
    %add3A = arith.addi %mul3A_0, %arg0 : i32
    %mul3A_1 = arith.constant 512 : i32
    %mul3A_2 = arith.muli %add3A, %mul3A_1 : i32
    %add3A_3 = arith.constant 0 : i32
    %add3A_4 = arith.addi %mul3A_2, %add3A_3 : i32
    "tpu.region"() ({
      %run_scoped3A = tpu.sem_alloc : memref<!tpu.dma_semaphore, #tpu.memory_space<semaphore_mem>>
      %dma_start3A_33 = tpu.memref_slice %arg3[%add3A_4] : memref<16384xi32, #tpu.memory_space<hbm>> -> memref<128xi32, #tpu.memory_space<hbm>>
      %dma_start3A_34 = tpu.memref_slice %arg3[%add3A_4] : memref<16384xi32, #tpu.memory_space<hbm>> -> memref<128xi32, #tpu.memory_space<hbm>>
      tpu.enqueue_dma source(%dma_start3A_34 : memref<128xi32, #tpu.memory_space<hbm>>) target(%arg5 : memref<128xi32, #tpu.memory_space<vmem>>) target_semaphore(%run_scoped3A : memref<!tpu.dma_semaphore, #tpu.memory_space<semaphore_mem>>)
      %dma_wait3A_35 = tpu.memref_slice %arg3[%add3A_4] : memref<16384xi32, #tpu.memory_space<hbm>> -> memref<128xi32, #tpu.memory_space<hbm>>
      %dma_wait3A_36 = tpu.memref_slice %arg3[%add3A_4] : memref<16384xi32, #tpu.memory_space<hbm>> -> memref<128xi32, #tpu.memory_space<hbm>>
      tpu.wait_dma2 semaphore(%run_scoped3A : memref<!tpu.dma_semaphore, #tpu.memory_space<semaphore_mem>>) src(%dma_wait3A_36 : memref<128xi32, #tpu.memory_space<hbm>>) dst(%arg5 : memref<128xi32, #tpu.memory_space<vmem>>)
      tpu.yield
    }) : () -> ()
    %dma_start3A = arith.constant 0 : i32
    %dma_start3A_5 = arith.constant 0 : i32
    %dma_start3A_6 = tpu.memref_slice %arg2[%dma_start3A, %dma_start3A_5] : memref<8192x256xf32, #tpu.memory_space<hbm>> -> memref<8192x256xf32, #tpu.memory_space<hbm>>
    tpu.enqueue_indirect_dma source(%dma_start3A_6 : memref<8192x256xf32, #tpu.memory_space<hbm>>) target(%arg6 : memref<128x256xf32, #tpu.memory_space<vmem>>) offsets(%arg5 : memref<128xi32, #tpu.memory_space<vmem>>) semaphore(%arg7 : memref<!tpu.dma_semaphore, #tpu.memory_space<semaphore_mem>>)
    %dma_wait3A = arith.constant 0 : i32
    %dma_wait3A_7 = arith.constant 0 : i32
    %dma_wait3A_8 = tpu.memref_slice %arg2[%dma_wait3A, %dma_wait3A_7] : memref<8192x256xf32, #tpu.memory_space<hbm>> -> memref<8192x256xf32, #tpu.memory_space<hbm>>
    tpu.wait_indirect_dma semaphore(%arg7 : memref<!tpu.dma_semaphore, #tpu.memory_space<semaphore_mem>>) src(%dma_wait3A_8 : memref<8192x256xf32, #tpu.memory_space<hbm>>) dst(%arg6 : memref<128x256xf32, #tpu.memory_space<vmem>>)
    "tpu.region"() ({
      %run_scoped3A = tpu.sem_alloc : memref<!tpu.dma_semaphore, #tpu.memory_space<semaphore_mem>>
      %dma_start3A_33 = arith.constant 0 : i32
      %dma_start3A_34 = tpu.memref_slice %arg4[%add3A_4, %dma_start3A_33] : memref<16384x256xf32, #tpu.memory_space<hbm>> -> memref<128x256xf32, #tpu.memory_space<hbm>>
      %dma_start3A_35 = arith.constant 0 : i32
      %dma_start3A_36 = tpu.memref_slice %arg4[%add3A_4, %dma_start3A_35] : memref<16384x256xf32, #tpu.memory_space<hbm>> -> memref<128x256xf32, #tpu.memory_space<hbm>>
      tpu.enqueue_dma source(%arg6 : memref<128x256xf32, #tpu.memory_space<vmem>>) target(%dma_start3A_36 : memref<128x256xf32, #tpu.memory_space<hbm>>) target_semaphore(%run_scoped3A : memref<!tpu.dma_semaphore, #tpu.memory_space<semaphore_mem>>)
      %dma_wait3A_37 = arith.constant 0 : i32
      %dma_wait3A_38 = tpu.memref_slice %arg4[%add3A_4, %dma_wait3A_37] : memref<16384x256xf32, #tpu.memory_space<hbm>> -> memref<128x256xf32, #tpu.memory_space<hbm>>
      %dma_wait3A_39 = arith.constant 0 : i32
      %dma_wait3A_40 = tpu.memref_slice %arg4[%add3A_4, %dma_wait3A_39] : memref<16384x256xf32, #tpu.memory_space<hbm>> -> memref<128x256xf32, #tpu.memory_space<hbm>>
      tpu.wait_dma2 semaphore(%run_scoped3A : memref<!tpu.dma_semaphore, #tpu.memory_space<semaphore_mem>>) src(%arg6 : memref<128x256xf32, #tpu.memory_space<vmem>>) dst(%dma_wait3A_40 : memref<128x256xf32, #tpu.memory_space<hbm>>)
      tpu.yield
    }) : () -> ()
    %add3A_9 = arith.constant 128 : i32
    %add3A_10 = arith.addi %mul3A_2, %add3A_9 : i32
    "tpu.region"() ({
      %run_scoped3A = tpu.sem_alloc : memref<!tpu.dma_semaphore, #tpu.memory_space<semaphore_mem>>
      %dma_start3A_33 = tpu.memref_slice %arg3[%add3A_10] : memref<16384xi32, #tpu.memory_space<hbm>> -> memref<128xi32, #tpu.memory_space<hbm>>
      %dma_start3A_34 = tpu.memref_slice %arg3[%add3A_10] : memref<16384xi32, #tpu.memory_space<hbm>> -> memref<128xi32, #tpu.memory_space<hbm>>
      tpu.enqueue_dma source(%dma_start3A_34 : memref<128xi32, #tpu.memory_space<hbm>>) target(%arg5 : memref<128xi32, #tpu.memory_space<vmem>>) target_semaphore(%run_scoped3A : memref<!tpu.dma_semaphore, #tpu.memory_space<semaphore_mem>>)
      %dma_wait3A_35 = tpu.memref_slice %arg3[%add3A_10] : memref<16384xi32, #tpu.memory_space<hbm>> -> memref<128xi32, #tpu.memory_space<hbm>>
      %dma_wait3A_36 = tpu.memref_slice %arg3[%add3A_10] : memref<16384xi32, #tpu.memory_space<hbm>> -> memref<128xi32, #tpu.memory_space<hbm>>
      tpu.wait_dma2 semaphore(%run_scoped3A : memref<!tpu.dma_semaphore, #tpu.memory_space<semaphore_mem>>) src(%dma_wait3A_36 : memref<128xi32, #tpu.memory_space<hbm>>) dst(%arg5 : memref<128xi32, #tpu.memory_space<vmem>>)
      tpu.yield
    }) : () -> ()
    %dma_start3A_11 = arith.constant 0 : i32
    %dma_start3A_12 = arith.constant 0 : i32
    %dma_start3A_13 = tpu.memref_slice %arg2[%dma_start3A_11, %dma_start3A_12] : memref<8192x256xf32, #tpu.memory_space<hbm>> -> memref<8192x256xf32, #tpu.memory_space<hbm>>
    tpu.enqueue_indirect_dma source(%dma_start3A_13 : memref<8192x256xf32, #tpu.memory_space<hbm>>) target(%arg6 : memref<128x256xf32, #tpu.memory_space<vmem>>) offsets(%arg5 : memref<128xi32, #tpu.memory_space<vmem>>) semaphore(%arg7 : memref<!tpu.dma_semaphore, #tpu.memory_space<semaphore_mem>>)
    %dma_wait3A_14 = arith.constant 0 : i32
    %dma_wait3A_15 = arith.constant 0 : i32
    %dma_wait3A_16 = tpu.memref_slice %arg2[%dma_wait3A_14, %dma_wait3A_15] : memref<8192x256xf32, #tpu.memory_space<hbm>> -> memref<8192x256xf32, #tpu.memory_space<hbm>>
    tpu.wait_indirect_dma semaphore(%arg7 : memref<!tpu.dma_semaphore, #tpu.memory_space<semaphore_mem>>) src(%dma_wait3A_16 : memref<8192x256xf32, #tpu.memory_space<hbm>>) dst(%arg6 : memref<128x256xf32, #tpu.memory_space<vmem>>)
    "tpu.region"() ({
      %run_scoped3A = tpu.sem_alloc : memref<!tpu.dma_semaphore, #tpu.memory_space<semaphore_mem>>
      %dma_start3A_33 = arith.constant 0 : i32
      %dma_start3A_34 = tpu.memref_slice %arg4[%add3A_10, %dma_start3A_33] : memref<16384x256xf32, #tpu.memory_space<hbm>> -> memref<128x256xf32, #tpu.memory_space<hbm>>
      %dma_start3A_35 = arith.constant 0 : i32
      %dma_start3A_36 = tpu.memref_slice %arg4[%add3A_10, %dma_start3A_35] : memref<16384x256xf32, #tpu.memory_space<hbm>> -> memref<128x256xf32, #tpu.memory_space<hbm>>
      tpu.enqueue_dma source(%arg6 : memref<128x256xf32, #tpu.memory_space<vmem>>) target(%dma_start3A_36 : memref<128x256xf32, #tpu.memory_space<hbm>>) target_semaphore(%run_scoped3A : memref<!tpu.dma_semaphore, #tpu.memory_space<semaphore_mem>>)
      %dma_wait3A_37 = arith.constant 0 : i32
      %dma_wait3A_38 = tpu.memref_slice %arg4[%add3A_10, %dma_wait3A_37] : memref<16384x256xf32, #tpu.memory_space<hbm>> -> memref<128x256xf32, #tpu.memory_space<hbm>>
      %dma_wait3A_39 = arith.constant 0 : i32
      %dma_wait3A_40 = tpu.memref_slice %arg4[%add3A_10, %dma_wait3A_39] : memref<16384x256xf32, #tpu.memory_space<hbm>> -> memref<128x256xf32, #tpu.memory_space<hbm>>
      tpu.wait_dma2 semaphore(%run_scoped3A : memref<!tpu.dma_semaphore, #tpu.memory_space<semaphore_mem>>) src(%arg6 : memref<128x256xf32, #tpu.memory_space<vmem>>) dst(%dma_wait3A_40 : memref<128x256xf32, #tpu.memory_space<hbm>>)
      tpu.yield
    }) : () -> ()
    %add3A_17 = arith.constant 256 : i32
    %add3A_18 = arith.addi %mul3A_2, %add3A_17 : i32
    "tpu.region"() ({
      %run_scoped3A = tpu.sem_alloc : memref<!tpu.dma_semaphore, #tpu.memory_space<semaphore_mem>>
      %dma_start3A_33 = tpu.memref_slice %arg3[%add3A_18] : memref<16384xi32, #tpu.memory_space<hbm>> -> memref<128xi32, #tpu.memory_space<hbm>>
      %dma_start3A_34 = tpu.memref_slice %arg3[%add3A_18] : memref<16384xi32, #tpu.memory_space<hbm>> -> memref<128xi32, #tpu.memory_space<hbm>>
      tpu.enqueue_dma source(%dma_start3A_34 : memref<128xi32, #tpu.memory_space<hbm>>) target(%arg5 : memref<128xi32, #tpu.memory_space<vmem>>) target_semaphore(%run_scoped3A : memref<!tpu.dma_semaphore, #tpu.memory_space<semaphore_mem>>)
      %dma_wait3A_35 = tpu.memref_slice %arg3[%add3A_18] : memref<16384xi32, #tpu.memory_space<hbm>> -> memref<128xi32, #tpu.memory_space<hbm>>
      %dma_wait3A_36 = tpu.memref_slice %arg3[%add3A_18] : memref<16384xi32, #tpu.memory_space<hbm>> -> memref<128xi32, #tpu.memory_space<hbm>>
      tpu.wait_dma2 semaphore(%run_scoped3A : memref<!tpu.dma_semaphore, #tpu.memory_space<semaphore_mem>>) src(%dma_wait3A_36 : memref<128xi32, #tpu.memory_space<hbm>>) dst(%arg5 : memref<128xi32, #tpu.memory_space<vmem>>)
      tpu.yield
    }) : () -> ()
    %dma_start3A_19 = arith.constant 0 : i32
    %dma_start3A_20 = arith.constant 0 : i32
    %dma_start3A_21 = tpu.memref_slice %arg2[%dma_start3A_19, %dma_start3A_20] : memref<8192x256xf32, #tpu.memory_space<hbm>> -> memref<8192x256xf32, #tpu.memory_space<hbm>>
    tpu.enqueue_indirect_dma source(%dma_start3A_21 : memref<8192x256xf32, #tpu.memory_space<hbm>>) target(%arg6 : memref<128x256xf32, #tpu.memory_space<vmem>>) offsets(%arg5 : memref<128xi32, #tpu.memory_space<vmem>>) semaphore(%arg7 : memref<!tpu.dma_semaphore, #tpu.memory_space<semaphore_mem>>)
    %dma_wait3A_22 = arith.constant 0 : i32
    %dma_wait3A_23 = arith.constant 0 : i32
    %dma_wait3A_24 = tpu.memref_slice %arg2[%dma_wait3A_22, %dma_wait3A_23] : memref<8192x256xf32, #tpu.memory_space<hbm>> -> memref<8192x256xf32, #tpu.memory_space<hbm>>
    tpu.wait_indirect_dma semaphore(%arg7 : memref<!tpu.dma_semaphore, #tpu.memory_space<semaphore_mem>>) src(%dma_wait3A_24 : memref<8192x256xf32, #tpu.memory_space<hbm>>) dst(%arg6 : memref<128x256xf32, #tpu.memory_space<vmem>>)
    "tpu.region"() ({
      %run_scoped3A = tpu.sem_alloc : memref<!tpu.dma_semaphore, #tpu.memory_space<semaphore_mem>>
      %dma_start3A_33 = arith.constant 0 : i32
      %dma_start3A_34 = tpu.memref_slice %arg4[%add3A_18, %dma_start3A_33] : memref<16384x256xf32, #tpu.memory_space<hbm>> -> memref<128x256xf32, #tpu.memory_space<hbm>>
      %dma_start3A_35 = arith.constant 0 : i32
      %dma_start3A_36 = tpu.memref_slice %arg4[%add3A_18, %dma_start3A_35] : memref<16384x256xf32, #tpu.memory_space<hbm>> -> memref<128x256xf32, #tpu.memory_space<hbm>>
      tpu.enqueue_dma source(%arg6 : memref<128x256xf32, #tpu.memory_space<vmem>>) target(%dma_start3A_36 : memref<128x256xf32, #tpu.memory_space<hbm>>) target_semaphore(%run_scoped3A : memref<!tpu.dma_semaphore, #tpu.memory_space<semaphore_mem>>)
      %dma_wait3A_37 = arith.constant 0 : i32
      %dma_wait3A_38 = tpu.memref_slice %arg4[%add3A_18, %dma_wait3A_37] : memref<16384x256xf32, #tpu.memory_space<hbm>> -> memref<128x256xf32, #tpu.memory_space<hbm>>
      %dma_wait3A_39 = arith.constant 0 : i32
      %dma_wait3A_40 = tpu.memref_slice %arg4[%add3A_18, %dma_wait3A_39] : memref<16384x256xf32, #tpu.memory_space<hbm>> -> memref<128x256xf32, #tpu.memory_space<hbm>>
      tpu.wait_dma2 semaphore(%run_scoped3A : memref<!tpu.dma_semaphore, #tpu.memory_space<semaphore_mem>>) src(%arg6 : memref<128x256xf32, #tpu.memory_space<vmem>>) dst(%dma_wait3A_40 : memref<128x256xf32, #tpu.memory_space<hbm>>)
      tpu.yield
    }) : () -> ()
    %add3A_25 = arith.constant 384 : i32
    %add3A_26 = arith.addi %mul3A_2, %add3A_25 : i32
    "tpu.region"() ({
      %run_scoped3A = tpu.sem_alloc : memref<!tpu.dma_semaphore, #tpu.memory_space<semaphore_mem>>
      %dma_start3A_33 = tpu.memref_slice %arg3[%add3A_26] : memref<16384xi32, #tpu.memory_space<hbm>> -> memref<128xi32, #tpu.memory_space<hbm>>
      %dma_start3A_34 = tpu.memref_slice %arg3[%add3A_26] : memref<16384xi32, #tpu.memory_space<hbm>> -> memref<128xi32, #tpu.memory_space<hbm>>
      tpu.enqueue_dma source(%dma_start3A_34 : memref<128xi32, #tpu.memory_space<hbm>>) target(%arg5 : memref<128xi32, #tpu.memory_space<vmem>>) target_semaphore(%run_scoped3A : memref<!tpu.dma_semaphore, #tpu.memory_space<semaphore_mem>>)
      %dma_wait3A_35 = tpu.memref_slice %arg3[%add3A_26] : memref<16384xi32, #tpu.memory_space<hbm>> -> memref<128xi32, #tpu.memory_space<hbm>>
      %dma_wait3A_36 = tpu.memref_slice %arg3[%add3A_26] : memref<16384xi32, #tpu.memory_space<hbm>> -> memref<128xi32, #tpu.memory_space<hbm>>
      tpu.wait_dma2 semaphore(%run_scoped3A : memref<!tpu.dma_semaphore, #tpu.memory_space<semaphore_mem>>) src(%dma_wait3A_36 : memref<128xi32, #tpu.memory_space<hbm>>) dst(%arg5 : memref<128xi32, #tpu.memory_space<vmem>>)
      tpu.yield
    }) : () -> ()
    %dma_start3A_27 = arith.constant 0 : i32
    %dma_start3A_28 = arith.constant 0 : i32
    %dma_start3A_29 = tpu.memref_slice %arg2[%dma_start3A_27, %dma_start3A_28] : memref<8192x256xf32, #tpu.memory_space<hbm>> -> memref<8192x256xf32, #tpu.memory_space<hbm>>
    tpu.enqueue_indirect_dma source(%dma_start3A_29 : memref<8192x256xf32, #tpu.memory_space<hbm>>) target(%arg6 : memref<128x256xf32, #tpu.memory_space<vmem>>) offsets(%arg5 : memref<128xi32, #tpu.memory_space<vmem>>) semaphore(%arg7 : memref<!tpu.dma_semaphore, #tpu.memory_space<semaphore_mem>>)
    %dma_wait3A_30 = arith.constant 0 : i32
    %dma_wait3A_31 = arith.constant 0 : i32
    %dma_wait3A_32 = tpu.memref_slice %arg2[%dma_wait3A_30, %dma_wait3A_31] : memref<8192x256xf32, #tpu.memory_space<hbm>> -> memref<8192x256xf32, #tpu.memory_space<hbm>>
    tpu.wait_indirect_dma semaphore(%arg7 : memref<!tpu.dma_semaphore, #tpu.memory_space<semaphore_mem>>) src(%dma_wait3A_32 : memref<8192x256xf32, #tpu.memory_space<hbm>>) dst(%arg6 : memref<128x256xf32, #tpu.memory_space<vmem>>)
    "tpu.region"() ({
      %run_scoped3A = tpu.sem_alloc : memref<!tpu.dma_semaphore, #tpu.memory_space<semaphore_mem>>
      %dma_start3A_33 = arith.constant 0 : i32
      %dma_start3A_34 = tpu.memref_slice %arg4[%add3A_26, %dma_start3A_33] : memref<16384x256xf32, #tpu.memory_space<hbm>> -> memref<128x256xf32, #tpu.memory_space<hbm>>
      %dma_start3A_35 = arith.constant 0 : i32
      %dma_start3A_36 = tpu.memref_slice %arg4[%add3A_26, %dma_start3A_35] : memref<16384x256xf32, #tpu.memory_space<hbm>> -> memref<128x256xf32, #tpu.memory_space<hbm>>
      tpu.enqueue_dma source(%arg6 : memref<128x256xf32, #tpu.memory_space<vmem>>) target(%dma_start3A_36 : memref<128x256xf32, #tpu.memory_space<hbm>>) target_semaphore(%run_scoped3A : memref<!tpu.dma_semaphore, #tpu.memory_space<semaphore_mem>>)
      %dma_wait3A_37 = arith.constant 0 : i32
      %dma_wait3A_38 = tpu.memref_slice %arg4[%add3A_26, %dma_wait3A_37] : memref<16384x256xf32, #tpu.memory_space<hbm>> -> memref<128x256xf32, #tpu.memory_space<hbm>>
      %dma_wait3A_39 = arith.constant 0 : i32
      %dma_wait3A_40 = tpu.memref_slice %arg4[%add3A_26, %dma_wait3A_39] : memref<16384x256xf32, #tpu.memory_space<hbm>> -> memref<128x256xf32, #tpu.memory_space<hbm>>
      tpu.wait_dma2 semaphore(%run_scoped3A : memref<!tpu.dma_semaphore, #tpu.memory_space<semaphore_mem>>) src(%arg6 : memref<128x256xf32, #tpu.memory_space<vmem>>) dst(%dma_wait3A_40 : memref<128x256xf32, #tpu.memory_space<hbm>>)
      tpu.yield
    }) : () -> ()
    return
  }
}

module attributes {stable_mosaic.version = 14 : i64} {
  func.func @_vq_argmin_body(%arg0: i32, %arg1: memref<1024x256xbf16, #tpu.memory_space<vmem>>, %arg2: memref<8192x256xbf16, #tpu.memory_space<vmem>>, %arg3: memref<8192x256xbf16, #tpu.memory_space<vmem>>, %arg4: memref<1024x1xf32, #tpu.memory_space<vmem>>, %arg5: memref<8192xf32, #tpu.memory_space<vmem>>, %arg6: memref<1024xi32, #tpu.memory_space<vmem>>, %arg7: memref<128x64xf32, #tpu.memory_space<vmem>>, %arg8: memref<1x1xf32, #tpu.memory_space<smem>>, %arg9: memref<1x1xf32, #tpu.memory_space<smem>>, %arg10: memref<1x1xf32, #tpu.memory_space<smem>>, %arg11: memref<1x1xi32, #tpu.memory_space<smem>>) attributes {dimension_semantics = [#tpu.dimension_semantics<arbitrary>], iteration_bounds = array<i64: 16>, scalar_prefetch = 0 : i64, scratch_operands = 0 : i64, tpu.core_type = #tpu.core_type<tc>, window_params = [{transform_indices = @transform_0, window_bounds = array<i64: 1024, 256>}, {pipeline_mode = #tpu.pipeline_mode<synchronous>, transform_indices = @transform_1, window_bounds = array<i64: 8192, 256>}, {pipeline_mode = #tpu.pipeline_mode<synchronous>, transform_indices = @transform_2, window_bounds = array<i64: 8192, 256>}, {transform_indices = @transform_3, window_bounds = array<i64: 1024, 1>}, {pipeline_mode = #tpu.pipeline_mode<synchronous>, transform_indices = @transform_4, window_bounds = array<i64: 8192>}, {transform_indices = @transform_5, window_bounds = array<i64: 1024>}, {pipeline_mode = #tpu.pipeline_mode<synchronous>, transform_indices = @transform_6, window_bounds = array<i64: 128, 64>}, {transform_indices = @transform_7, window_bounds = array<i64: 1, 1>}, {transform_indices = @transform_8, window_bounds = array<i64: 1, 1>}, {transform_indices = @transform_9, window_bounds = array<i64: 1, 1>}, {transform_indices = @transform_10, window_bounds = array<i64: 1, 1>}]} {
    %get3A = arith.constant 0 : index
    %get3A_0 = arith.constant 0 : index
    %get3A_1 = vector.load %arg1[%get3A, %get3A_0] : memref<1024x256xbf16, #tpu.memory_space<vmem>>, vector<1024x256xbf16>
    %get3A_2 = arith.constant 0 : index
    %get3A_3 = arith.constant 0 : index
    %get3A_4 = vector.load %arg4[%get3A_2, %get3A_3] : memref<1024x1xf32, #tpu.memory_space<vmem>>, vector<1024x1xf32>
    %get3A_5 = arith.constant 0 : index
    %get3A_6 = arith.constant 0 : index
    %get3A_7 = vector.load %arg2[%get3A_5, %get3A_6] : memref<8192x256xbf16, #tpu.memory_space<vmem>>, vector<512x256xbf16>
    %get3A_8 = arith.constant 0 : index
    %get3A_9 = arith.constant 0 : index
    %get3A_10 = vector.load %arg3[%get3A_8, %get3A_9] : memref<8192x256xbf16, #tpu.memory_space<vmem>>, vector<512x256xbf16>
    %dot_general3A = arith.constant dense<0.000000e+00> : vector<1024x512xf32>
    %dot_general3A_11 = tpu.matmul %get3A_1, %get3A_7, %dot_general3A {dimension_numbers = #tpu.dot_dimension_numbers<[1], [1], [0], [0], [0, 0, 1, 0], [], []>, transpose_lhs_hint = false} : vector<1024x256xbf16>, vector<512x256xbf16>, vector<1024x512xf32> -> vector<1024x512xf32>
    %dot_general3A_12 = arith.constant dense<0.000000e+00> : vector<1024x512xf32>
    %dot_general3A_13 = tpu.matmul %get3A_1, %get3A_10, %dot_general3A_12 {dimension_numbers = #tpu.dot_dimension_numbers<[1], [1], [0], [0], [0, 0, 1, 0], [], []>, transpose_lhs_hint = false} : vector<1024x256xbf16>, vector<512x256xbf16>, vector<1024x512xf32> -> vector<1024x512xf32>
    %add3A = arith.addf %dot_general3A_11, %dot_general3A_13 : vector<1024x512xf32>
    %sub3A = vector.broadcast %get3A_4 : vector<1024x1xf32> to vector<1024x512xf32>
    %sub3A_14 = arith.subf %sub3A, %add3A : vector<1024x512xf32>
    %get3A_15 = arith.constant 0 : index
    %get3A_16 = vector.load %arg5[%get3A_15] : memref<8192xf32, #tpu.memory_space<vmem>>, vector<512xf32>
    %broadcast_in_dim3A = vector.shape_cast %get3A_16 : vector<512xf32> to vector<1x512xf32>
    %add3A_17 = vector.broadcast %broadcast_in_dim3A : vector<1x512xf32> to vector<1024x512xf32>
    %add3A_18 = arith.addf %sub3A_14, %add3A_17 : vector<1024x512xf32>
    %reduce_min3A = arith.constant dense<0x7F800000> : vector<1024xf32>
    %reduce_min3A_19 = vector.multi_reduction <minimumf>, %add3A_18, %reduce_min3A [1] : vector<1024x512xf32> to vector<1024xf32>
    %iota3A = tpu.iota {dimensions = array<i32: 1>} : vector<1024x512xi32>
    %add3A_20 = arith.constant 0 : i32
    %add3A_21 = vector.broadcast %add3A_20 : i32 to vector<1024x512xi32>
    %add3A_22 = arith.addi %iota3A, %add3A_21 : vector<1024x512xi32>
    %broadcast_in_dim3A_23 = vector.shape_cast %reduce_min3A_19 : vector<1024xf32> to vector<1024x1xf32>
    %eq3A = vector.broadcast %broadcast_in_dim3A_23 : vector<1024x1xf32> to vector<1024x512xf32>
    %eq3A_24 = arith.cmpf oeq, %add3A_18, %eq3A : vector<1024x512xf32>
    %jit3A = arith.constant 8192 : i32
    %broadcast_in_dim3A_25 = vector.broadcast %jit3A : i32 to vector<1024x512xi32>
    %select_n3A = arith.select %eq3A_24, %add3A_22, %broadcast_in_dim3A_25 : vector<1024x512xi1>, vector<1024x512xi32>
    %reduce_min3A_26 = arith.constant dense<2147483647> : vector<1024xi32>
    %reduce_min3A_27 = vector.multi_reduction <minsi>, %select_n3A, %reduce_min3A_26 [1] : vector<1024x512xi32> to vector<1024xi32>
    %get3A_28 = arith.constant 512 : index
    %get3A_29 = arith.constant 0 : index
    %get3A_30 = vector.load %arg2[%get3A_28, %get3A_29] : memref<8192x256xbf16, #tpu.memory_space<vmem>>, vector<512x256xbf16>
    %get3A_31 = arith.constant 512 : index
    %get3A_32 = arith.constant 0 : index
    %get3A_33 = vector.load %arg3[%get3A_31, %get3A_32] : memref<8192x256xbf16, #tpu.memory_space<vmem>>, vector<512x256xbf16>
    %dot_general3A_34 = arith.constant dense<0.000000e+00> : vector<1024x512xf32>
    %dot_general3A_35 = tpu.matmul %get3A_1, %get3A_30, %dot_general3A_34 {dimension_numbers = #tpu.dot_dimension_numbers<[1], [1], [0], [0], [0, 0, 1, 0], [], []>, transpose_lhs_hint = false} : vector<1024x256xbf16>, vector<512x256xbf16>, vector<1024x512xf32> -> vector<1024x512xf32>
    %dot_general3A_36 = arith.constant dense<0.000000e+00> : vector<1024x512xf32>
    %dot_general3A_37 = tpu.matmul %get3A_1, %get3A_33, %dot_general3A_36 {dimension_numbers = #tpu.dot_dimension_numbers<[1], [1], [0], [0], [0, 0, 1, 0], [], []>, transpose_lhs_hint = false} : vector<1024x256xbf16>, vector<512x256xbf16>, vector<1024x512xf32> -> vector<1024x512xf32>
    %add3A_38 = arith.addf %dot_general3A_35, %dot_general3A_37 : vector<1024x512xf32>
    %sub3A_39 = vector.broadcast %get3A_4 : vector<1024x1xf32> to vector<1024x512xf32>
    %sub3A_40 = arith.subf %sub3A_39, %add3A_38 : vector<1024x512xf32>
    %get3A_41 = arith.constant 512 : index
    %get3A_42 = vector.load %arg5[%get3A_41] : memref<8192xf32, #tpu.memory_space<vmem>>, vector<512xf32>
    %broadcast_in_dim3A_43 = vector.shape_cast %get3A_42 : vector<512xf32> to vector<1x512xf32>
    %add3A_44 = vector.broadcast %broadcast_in_dim3A_43 : vector<1x512xf32> to vector<1024x512xf32>
    %add3A_45 = arith.addf %sub3A_40, %add3A_44 : vector<1024x512xf32>
    %reduce_min3A_46 = arith.constant dense<0x7F800000> : vector<1024xf32>
    %reduce_min3A_47 = vector.multi_reduction <minimumf>, %add3A_45, %reduce_min3A_46 [1] : vector<1024x512xf32> to vector<1024xf32>
    %iota3A_48 = tpu.iota {dimensions = array<i32: 1>} : vector<1024x512xi32>
    %add3A_49 = arith.constant 512 : i32
    %add3A_50 = vector.broadcast %add3A_49 : i32 to vector<1024x512xi32>
    %add3A_51 = arith.addi %iota3A_48, %add3A_50 : vector<1024x512xi32>
    %broadcast_in_dim3A_52 = vector.shape_cast %reduce_min3A_47 : vector<1024xf32> to vector<1024x1xf32>
    %eq3A_53 = vector.broadcast %broadcast_in_dim3A_52 : vector<1024x1xf32> to vector<1024x512xf32>
    %eq3A_54 = arith.cmpf oeq, %add3A_45, %eq3A_53 : vector<1024x512xf32>
    %jit3A_55 = arith.constant 8192 : i32
    %broadcast_in_dim3A_56 = vector.broadcast %jit3A_55 : i32 to vector<1024x512xi32>
    %select_n3A_57 = arith.select %eq3A_54, %add3A_51, %broadcast_in_dim3A_56 : vector<1024x512xi1>, vector<1024x512xi32>
    %reduce_min3A_58 = arith.constant dense<2147483647> : vector<1024xi32>
    %reduce_min3A_59 = vector.multi_reduction <minsi>, %select_n3A_57, %reduce_min3A_58 [1] : vector<1024x512xi32> to vector<1024xi32>
    %lt3A = arith.cmpf olt, %reduce_min3A_47, %reduce_min3A_19 : vector<1024xf32>
    %select_n3A_60 = arith.select %lt3A, %reduce_min3A_47, %reduce_min3A_19 : vector<1024xi1>, vector<1024xf32>
    %select_n3A_61 = arith.select %lt3A, %reduce_min3A_59, %reduce_min3A_27 : vector<1024xi1>, vector<1024xi32>
    %get3A_62 = arith.constant 1024 : index
    %get3A_63 = arith.constant 0 : index
    %get3A_64 = vector.load %arg2[%get3A_62, %get3A_63] : memref<8192x256xbf16, #tpu.memory_space<vmem>>, vector<512x256xbf16>
    %get3A_65 = arith.constant 1024 : index
    %get3A_66 = arith.constant 0 : index
    %get3A_67 = vector.load %arg3[%get3A_65, %get3A_66] : memref<8192x256xbf16, #tpu.memory_space<vmem>>, vector<512x256xbf16>
    %dot_general3A_68 = arith.constant dense<0.000000e+00> : vector<1024x512xf32>
    %dot_general3A_69 = tpu.matmul %get3A_1, %get3A_64, %dot_general3A_68 {dimension_numbers = #tpu.dot_dimension_numbers<[1], [1], [0], [0], [0, 0, 1, 0], [], []>, transpose_lhs_hint = false} : vector<1024x256xbf16>, vector<512x256xbf16>, vector<1024x512xf32> -> vector<1024x512xf32>
    %dot_general3A_70 = arith.constant dense<0.000000e+00> : vector<1024x512xf32>
    %dot_general3A_71 = tpu.matmul %get3A_1, %get3A_67, %dot_general3A_70 {dimension_numbers = #tpu.dot_dimension_numbers<[1], [1], [0], [0], [0, 0, 1, 0], [], []>, transpose_lhs_hint = false} : vector<1024x256xbf16>, vector<512x256xbf16>, vector<1024x512xf32> -> vector<1024x512xf32>
    %add3A_72 = arith.addf %dot_general3A_69, %dot_general3A_71 : vector<1024x512xf32>
    %sub3A_73 = vector.broadcast %get3A_4 : vector<1024x1xf32> to vector<1024x512xf32>
    %sub3A_74 = arith.subf %sub3A_73, %add3A_72 : vector<1024x512xf32>
    %get3A_75 = arith.constant 1024 : index
    %get3A_76 = vector.load %arg5[%get3A_75] : memref<8192xf32, #tpu.memory_space<vmem>>, vector<512xf32>
    %broadcast_in_dim3A_77 = vector.shape_cast %get3A_76 : vector<512xf32> to vector<1x512xf32>
    %add3A_78 = vector.broadcast %broadcast_in_dim3A_77 : vector<1x512xf32> to vector<1024x512xf32>
    %add3A_79 = arith.addf %sub3A_74, %add3A_78 : vector<1024x512xf32>
    %reduce_min3A_80 = arith.constant dense<0x7F800000> : vector<1024xf32>
    %reduce_min3A_81 = vector.multi_reduction <minimumf>, %add3A_79, %reduce_min3A_80 [1] : vector<1024x512xf32> to vector<1024xf32>
    %iota3A_82 = tpu.iota {dimensions = array<i32: 1>} : vector<1024x512xi32>
    %add3A_83 = arith.constant 1024 : i32
    %add3A_84 = vector.broadcast %add3A_83 : i32 to vector<1024x512xi32>
    %add3A_85 = arith.addi %iota3A_82, %add3A_84 : vector<1024x512xi32>
    %broadcast_in_dim3A_86 = vector.shape_cast %reduce_min3A_81 : vector<1024xf32> to vector<1024x1xf32>
    %eq3A_87 = vector.broadcast %broadcast_in_dim3A_86 : vector<1024x1xf32> to vector<1024x512xf32>
    %eq3A_88 = arith.cmpf oeq, %add3A_79, %eq3A_87 : vector<1024x512xf32>
    %jit3A_89 = arith.constant 8192 : i32
    %broadcast_in_dim3A_90 = vector.broadcast %jit3A_89 : i32 to vector<1024x512xi32>
    %select_n3A_91 = arith.select %eq3A_88, %add3A_85, %broadcast_in_dim3A_90 : vector<1024x512xi1>, vector<1024x512xi32>
    %reduce_min3A_92 = arith.constant dense<2147483647> : vector<1024xi32>
    %reduce_min3A_93 = vector.multi_reduction <minsi>, %select_n3A_91, %reduce_min3A_92 [1] : vector<1024x512xi32> to vector<1024xi32>
    %lt3A_94 = arith.cmpf olt, %reduce_min3A_81, %select_n3A_60 : vector<1024xf32>
    %select_n3A_95 = arith.select %lt3A_94, %reduce_min3A_81, %select_n3A_60 : vector<1024xi1>, vector<1024xf32>
    %select_n3A_96 = arith.select %lt3A_94, %reduce_min3A_93, %select_n3A_61 : vector<1024xi1>, vector<1024xi32>
    %get3A_97 = arith.constant 1536 : index
    %get3A_98 = arith.constant 0 : index
    %get3A_99 = vector.load %arg2[%get3A_97, %get3A_98] : memref<8192x256xbf16, #tpu.memory_space<vmem>>, vector<512x256xbf16>
    %get3A_100 = arith.constant 1536 : index
    %get3A_101 = arith.constant 0 : index
    %get3A_102 = vector.load %arg3[%get3A_100, %get3A_101] : memref<8192x256xbf16, #tpu.memory_space<vmem>>, vector<512x256xbf16>
    %dot_general3A_103 = arith.constant dense<0.000000e+00> : vector<1024x512xf32>
    %dot_general3A_104 = tpu.matmul %get3A_1, %get3A_99, %dot_general3A_103 {dimension_numbers = #tpu.dot_dimension_numbers<[1], [1], [0], [0], [0, 0, 1, 0], [], []>, transpose_lhs_hint = false} : vector<1024x256xbf16>, vector<512x256xbf16>, vector<1024x512xf32> -> vector<1024x512xf32>
    %dot_general3A_105 = arith.constant dense<0.000000e+00> : vector<1024x512xf32>
    %dot_general3A_106 = tpu.matmul %get3A_1, %get3A_102, %dot_general3A_105 {dimension_numbers = #tpu.dot_dimension_numbers<[1], [1], [0], [0], [0, 0, 1, 0], [], []>, transpose_lhs_hint = false} : vector<1024x256xbf16>, vector<512x256xbf16>, vector<1024x512xf32> -> vector<1024x512xf32>
    %add3A_107 = arith.addf %dot_general3A_104, %dot_general3A_106 : vector<1024x512xf32>
    %sub3A_108 = vector.broadcast %get3A_4 : vector<1024x1xf32> to vector<1024x512xf32>
    %sub3A_109 = arith.subf %sub3A_108, %add3A_107 : vector<1024x512xf32>
    %get3A_110 = arith.constant 1536 : index
    %get3A_111 = vector.load %arg5[%get3A_110] : memref<8192xf32, #tpu.memory_space<vmem>>, vector<512xf32>
    %broadcast_in_dim3A_112 = vector.shape_cast %get3A_111 : vector<512xf32> to vector<1x512xf32>
    %add3A_113 = vector.broadcast %broadcast_in_dim3A_112 : vector<1x512xf32> to vector<1024x512xf32>
    %add3A_114 = arith.addf %sub3A_109, %add3A_113 : vector<1024x512xf32>
    %reduce_min3A_115 = arith.constant dense<0x7F800000> : vector<1024xf32>
    %reduce_min3A_116 = vector.multi_reduction <minimumf>, %add3A_114, %reduce_min3A_115 [1] : vector<1024x512xf32> to vector<1024xf32>
    %iota3A_117 = tpu.iota {dimensions = array<i32: 1>} : vector<1024x512xi32>
    %add3A_118 = arith.constant 1536 : i32
    %add3A_119 = vector.broadcast %add3A_118 : i32 to vector<1024x512xi32>
    %add3A_120 = arith.addi %iota3A_117, %add3A_119 : vector<1024x512xi32>
    %broadcast_in_dim3A_121 = vector.shape_cast %reduce_min3A_116 : vector<1024xf32> to vector<1024x1xf32>
    %eq3A_122 = vector.broadcast %broadcast_in_dim3A_121 : vector<1024x1xf32> to vector<1024x512xf32>
    %eq3A_123 = arith.cmpf oeq, %add3A_114, %eq3A_122 : vector<1024x512xf32>
    %jit3A_124 = arith.constant 8192 : i32
    %broadcast_in_dim3A_125 = vector.broadcast %jit3A_124 : i32 to vector<1024x512xi32>
    %select_n3A_126 = arith.select %eq3A_123, %add3A_120, %broadcast_in_dim3A_125 : vector<1024x512xi1>, vector<1024x512xi32>
    %reduce_min3A_127 = arith.constant dense<2147483647> : vector<1024xi32>
    %reduce_min3A_128 = vector.multi_reduction <minsi>, %select_n3A_126, %reduce_min3A_127 [1] : vector<1024x512xi32> to vector<1024xi32>
    %lt3A_129 = arith.cmpf olt, %reduce_min3A_116, %select_n3A_95 : vector<1024xf32>
    %select_n3A_130 = arith.select %lt3A_129, %reduce_min3A_116, %select_n3A_95 : vector<1024xi1>, vector<1024xf32>
    %select_n3A_131 = arith.select %lt3A_129, %reduce_min3A_128, %select_n3A_96 : vector<1024xi1>, vector<1024xi32>
    %get3A_132 = arith.constant 2048 : index
    %get3A_133 = arith.constant 0 : index
    %get3A_134 = vector.load %arg2[%get3A_132, %get3A_133] : memref<8192x256xbf16, #tpu.memory_space<vmem>>, vector<512x256xbf16>
    %get3A_135 = arith.constant 2048 : index
    %get3A_136 = arith.constant 0 : index
    %get3A_137 = vector.load %arg3[%get3A_135, %get3A_136] : memref<8192x256xbf16, #tpu.memory_space<vmem>>, vector<512x256xbf16>
    %dot_general3A_138 = arith.constant dense<0.000000e+00> : vector<1024x512xf32>
    %dot_general3A_139 = tpu.matmul %get3A_1, %get3A_134, %dot_general3A_138 {dimension_numbers = #tpu.dot_dimension_numbers<[1], [1], [0], [0], [0, 0, 1, 0], [], []>, transpose_lhs_hint = false} : vector<1024x256xbf16>, vector<512x256xbf16>, vector<1024x512xf32> -> vector<1024x512xf32>
    %dot_general3A_140 = arith.constant dense<0.000000e+00> : vector<1024x512xf32>
    %dot_general3A_141 = tpu.matmul %get3A_1, %get3A_137, %dot_general3A_140 {dimension_numbers = #tpu.dot_dimension_numbers<[1], [1], [0], [0], [0, 0, 1, 0], [], []>, transpose_lhs_hint = false} : vector<1024x256xbf16>, vector<512x256xbf16>, vector<1024x512xf32> -> vector<1024x512xf32>
    %add3A_142 = arith.addf %dot_general3A_139, %dot_general3A_141 : vector<1024x512xf32>
    %sub3A_143 = vector.broadcast %get3A_4 : vector<1024x1xf32> to vector<1024x512xf32>
    %sub3A_144 = arith.subf %sub3A_143, %add3A_142 : vector<1024x512xf32>
    %get3A_145 = arith.constant 2048 : index
    %get3A_146 = vector.load %arg5[%get3A_145] : memref<8192xf32, #tpu.memory_space<vmem>>, vector<512xf32>
    %broadcast_in_dim3A_147 = vector.shape_cast %get3A_146 : vector<512xf32> to vector<1x512xf32>
    %add3A_148 = vector.broadcast %broadcast_in_dim3A_147 : vector<1x512xf32> to vector<1024x512xf32>
    %add3A_149 = arith.addf %sub3A_144, %add3A_148 : vector<1024x512xf32>
    %reduce_min3A_150 = arith.constant dense<0x7F800000> : vector<1024xf32>
    %reduce_min3A_151 = vector.multi_reduction <minimumf>, %add3A_149, %reduce_min3A_150 [1] : vector<1024x512xf32> to vector<1024xf32>
    %iota3A_152 = tpu.iota {dimensions = array<i32: 1>} : vector<1024x512xi32>
    %add3A_153 = arith.constant 2048 : i32
    %add3A_154 = vector.broadcast %add3A_153 : i32 to vector<1024x512xi32>
    %add3A_155 = arith.addi %iota3A_152, %add3A_154 : vector<1024x512xi32>
    %broadcast_in_dim3A_156 = vector.shape_cast %reduce_min3A_151 : vector<1024xf32> to vector<1024x1xf32>
    %eq3A_157 = vector.broadcast %broadcast_in_dim3A_156 : vector<1024x1xf32> to vector<1024x512xf32>
    %eq3A_158 = arith.cmpf oeq, %add3A_149, %eq3A_157 : vector<1024x512xf32>
    %jit3A_159 = arith.constant 8192 : i32
    %broadcast_in_dim3A_160 = vector.broadcast %jit3A_159 : i32 to vector<1024x512xi32>
    %select_n3A_161 = arith.select %eq3A_158, %add3A_155, %broadcast_in_dim3A_160 : vector<1024x512xi1>, vector<1024x512xi32>
    %reduce_min3A_162 = arith.constant dense<2147483647> : vector<1024xi32>
    %reduce_min3A_163 = vector.multi_reduction <minsi>, %select_n3A_161, %reduce_min3A_162 [1] : vector<1024x512xi32> to vector<1024xi32>
    %lt3A_164 = arith.cmpf olt, %reduce_min3A_151, %select_n3A_130 : vector<1024xf32>
    %select_n3A_165 = arith.select %lt3A_164, %reduce_min3A_151, %select_n3A_130 : vector<1024xi1>, vector<1024xf32>
    %select_n3A_166 = arith.select %lt3A_164, %reduce_min3A_163, %select_n3A_131 : vector<1024xi1>, vector<1024xi32>
    %get3A_167 = arith.constant 2560 : index
    %get3A_168 = arith.constant 0 : index
    %get3A_169 = vector.load %arg2[%get3A_167, %get3A_168] : memref<8192x256xbf16, #tpu.memory_space<vmem>>, vector<512x256xbf16>
    %get3A_170 = arith.constant 2560 : index
    %get3A_171 = arith.constant 0 : index
    %get3A_172 = vector.load %arg3[%get3A_170, %get3A_171] : memref<8192x256xbf16, #tpu.memory_space<vmem>>, vector<512x256xbf16>
    %dot_general3A_173 = arith.constant dense<0.000000e+00> : vector<1024x512xf32>
    %dot_general3A_174 = tpu.matmul %get3A_1, %get3A_169, %dot_general3A_173 {dimension_numbers = #tpu.dot_dimension_numbers<[1], [1], [0], [0], [0, 0, 1, 0], [], []>, transpose_lhs_hint = false} : vector<1024x256xbf16>, vector<512x256xbf16>, vector<1024x512xf32> -> vector<1024x512xf32>
    %dot_general3A_175 = arith.constant dense<0.000000e+00> : vector<1024x512xf32>
    %dot_general3A_176 = tpu.matmul %get3A_1, %get3A_172, %dot_general3A_175 {dimension_numbers = #tpu.dot_dimension_numbers<[1], [1], [0], [0], [0, 0, 1, 0], [], []>, transpose_lhs_hint = false} : vector<1024x256xbf16>, vector<512x256xbf16>, vector<1024x512xf32> -> vector<1024x512xf32>
    %add3A_177 = arith.addf %dot_general3A_174, %dot_general3A_176 : vector<1024x512xf32>
    %sub3A_178 = vector.broadcast %get3A_4 : vector<1024x1xf32> to vector<1024x512xf32>
    %sub3A_179 = arith.subf %sub3A_178, %add3A_177 : vector<1024x512xf32>
    %get3A_180 = arith.constant 2560 : index
    %get3A_181 = vector.load %arg5[%get3A_180] : memref<8192xf32, #tpu.memory_space<vmem>>, vector<512xf32>
    %broadcast_in_dim3A_182 = vector.shape_cast %get3A_181 : vector<512xf32> to vector<1x512xf32>
    %add3A_183 = vector.broadcast %broadcast_in_dim3A_182 : vector<1x512xf32> to vector<1024x512xf32>
    %add3A_184 = arith.addf %sub3A_179, %add3A_183 : vector<1024x512xf32>
    %reduce_min3A_185 = arith.constant dense<0x7F800000> : vector<1024xf32>
    %reduce_min3A_186 = vector.multi_reduction <minimumf>, %add3A_184, %reduce_min3A_185 [1] : vector<1024x512xf32> to vector<1024xf32>
    %iota3A_187 = tpu.iota {dimensions = array<i32: 1>} : vector<1024x512xi32>
    %add3A_188 = arith.constant 2560 : i32
    %add3A_189 = vector.broadcast %add3A_188 : i32 to vector<1024x512xi32>
    %add3A_190 = arith.addi %iota3A_187, %add3A_189 : vector<1024x512xi32>
    %broadcast_in_dim3A_191 = vector.shape_cast %reduce_min3A_186 : vector<1024xf32> to vector<1024x1xf32>
    %eq3A_192 = vector.broadcast %broadcast_in_dim3A_191 : vector<1024x1xf32> to vector<1024x512xf32>
    %eq3A_193 = arith.cmpf oeq, %add3A_184, %eq3A_192 : vector<1024x512xf32>
    %jit3A_194 = arith.constant 8192 : i32
    %broadcast_in_dim3A_195 = vector.broadcast %jit3A_194 : i32 to vector<1024x512xi32>
    %select_n3A_196 = arith.select %eq3A_193, %add3A_190, %broadcast_in_dim3A_195 : vector<1024x512xi1>, vector<1024x512xi32>
    %reduce_min3A_197 = arith.constant dense<2147483647> : vector<1024xi32>
    %reduce_min3A_198 = vector.multi_reduction <minsi>, %select_n3A_196, %reduce_min3A_197 [1] : vector<1024x512xi32> to vector<1024xi32>
    %lt3A_199 = arith.cmpf olt, %reduce_min3A_186, %select_n3A_165 : vector<1024xf32>
    %select_n3A_200 = arith.select %lt3A_199, %reduce_min3A_186, %select_n3A_165 : vector<1024xi1>, vector<1024xf32>
    %select_n3A_201 = arith.select %lt3A_199, %reduce_min3A_198, %select_n3A_166 : vector<1024xi1>, vector<1024xi32>
    %get3A_202 = arith.constant 3072 : index
    %get3A_203 = arith.constant 0 : index
    %get3A_204 = vector.load %arg2[%get3A_202, %get3A_203] : memref<8192x256xbf16, #tpu.memory_space<vmem>>, vector<512x256xbf16>
    %get3A_205 = arith.constant 3072 : index
    %get3A_206 = arith.constant 0 : index
    %get3A_207 = vector.load %arg3[%get3A_205, %get3A_206] : memref<8192x256xbf16, #tpu.memory_space<vmem>>, vector<512x256xbf16>
    %dot_general3A_208 = arith.constant dense<0.000000e+00> : vector<1024x512xf32>
    %dot_general3A_209 = tpu.matmul %get3A_1, %get3A_204, %dot_general3A_208 {dimension_numbers = #tpu.dot_dimension_numbers<[1], [1], [0], [0], [0, 0, 1, 0], [], []>, transpose_lhs_hint = false} : vector<1024x256xbf16>, vector<512x256xbf16>, vector<1024x512xf32> -> vector<1024x512xf32>
    %dot_general3A_210 = arith.constant dense<0.000000e+00> : vector<1024x512xf32>
    %dot_general3A_211 = tpu.matmul %get3A_1, %get3A_207, %dot_general3A_210 {dimension_numbers = #tpu.dot_dimension_numbers<[1], [1], [0], [0], [0, 0, 1, 0], [], []>, transpose_lhs_hint = false} : vector<1024x256xbf16>, vector<512x256xbf16>, vector<1024x512xf32> -> vector<1024x512xf32>
    %add3A_212 = arith.addf %dot_general3A_209, %dot_general3A_211 : vector<1024x512xf32>
    %sub3A_213 = vector.broadcast %get3A_4 : vector<1024x1xf32> to vector<1024x512xf32>
    %sub3A_214 = arith.subf %sub3A_213, %add3A_212 : vector<1024x512xf32>
    %get3A_215 = arith.constant 3072 : index
    %get3A_216 = vector.load %arg5[%get3A_215] : memref<8192xf32, #tpu.memory_space<vmem>>, vector<512xf32>
    %broadcast_in_dim3A_217 = vector.shape_cast %get3A_216 : vector<512xf32> to vector<1x512xf32>
    %add3A_218 = vector.broadcast %broadcast_in_dim3A_217 : vector<1x512xf32> to vector<1024x512xf32>
    %add3A_219 = arith.addf %sub3A_214, %add3A_218 : vector<1024x512xf32>
    %reduce_min3A_220 = arith.constant dense<0x7F800000> : vector<1024xf32>
    %reduce_min3A_221 = vector.multi_reduction <minimumf>, %add3A_219, %reduce_min3A_220 [1] : vector<1024x512xf32> to vector<1024xf32>
    %iota3A_222 = tpu.iota {dimensions = array<i32: 1>} : vector<1024x512xi32>
    %add3A_223 = arith.constant 3072 : i32
    %add3A_224 = vector.broadcast %add3A_223 : i32 to vector<1024x512xi32>
    %add3A_225 = arith.addi %iota3A_222, %add3A_224 : vector<1024x512xi32>
    %broadcast_in_dim3A_226 = vector.shape_cast %reduce_min3A_221 : vector<1024xf32> to vector<1024x1xf32>
    %eq3A_227 = vector.broadcast %broadcast_in_dim3A_226 : vector<1024x1xf32> to vector<1024x512xf32>
    %eq3A_228 = arith.cmpf oeq, %add3A_219, %eq3A_227 : vector<1024x512xf32>
    %jit3A_229 = arith.constant 8192 : i32
    %broadcast_in_dim3A_230 = vector.broadcast %jit3A_229 : i32 to vector<1024x512xi32>
    %select_n3A_231 = arith.select %eq3A_228, %add3A_225, %broadcast_in_dim3A_230 : vector<1024x512xi1>, vector<1024x512xi32>
    %reduce_min3A_232 = arith.constant dense<2147483647> : vector<1024xi32>
    %reduce_min3A_233 = vector.multi_reduction <minsi>, %select_n3A_231, %reduce_min3A_232 [1] : vector<1024x512xi32> to vector<1024xi32>
    %lt3A_234 = arith.cmpf olt, %reduce_min3A_221, %select_n3A_200 : vector<1024xf32>
    %select_n3A_235 = arith.select %lt3A_234, %reduce_min3A_221, %select_n3A_200 : vector<1024xi1>, vector<1024xf32>
    %select_n3A_236 = arith.select %lt3A_234, %reduce_min3A_233, %select_n3A_201 : vector<1024xi1>, vector<1024xi32>
    %get3A_237 = arith.constant 3584 : index
    %get3A_238 = arith.constant 0 : index
    %get3A_239 = vector.load %arg2[%get3A_237, %get3A_238] : memref<8192x256xbf16, #tpu.memory_space<vmem>>, vector<512x256xbf16>
    %get3A_240 = arith.constant 3584 : index
    %get3A_241 = arith.constant 0 : index
    %get3A_242 = vector.load %arg3[%get3A_240, %get3A_241] : memref<8192x256xbf16, #tpu.memory_space<vmem>>, vector<512x256xbf16>
    %dot_general3A_243 = arith.constant dense<0.000000e+00> : vector<1024x512xf32>
    %dot_general3A_244 = tpu.matmul %get3A_1, %get3A_239, %dot_general3A_243 {dimension_numbers = #tpu.dot_dimension_numbers<[1], [1], [0], [0], [0, 0, 1, 0], [], []>, transpose_lhs_hint = false} : vector<1024x256xbf16>, vector<512x256xbf16>, vector<1024x512xf32> -> vector<1024x512xf32>
    %dot_general3A_245 = arith.constant dense<0.000000e+00> : vector<1024x512xf32>
    %dot_general3A_246 = tpu.matmul %get3A_1, %get3A_242, %dot_general3A_245 {dimension_numbers = #tpu.dot_dimension_numbers<[1], [1], [0], [0], [0, 0, 1, 0], [], []>, transpose_lhs_hint = false} : vector<1024x256xbf16>, vector<512x256xbf16>, vector<1024x512xf32> -> vector<1024x512xf32>
    %add3A_247 = arith.addf %dot_general3A_244, %dot_general3A_246 : vector<1024x512xf32>
    %sub3A_248 = vector.broadcast %get3A_4 : vector<1024x1xf32> to vector<1024x512xf32>
    %sub3A_249 = arith.subf %sub3A_248, %add3A_247 : vector<1024x512xf32>
    %get3A_250 = arith.constant 3584 : index
    %get3A_251 = vector.load %arg5[%get3A_250] : memref<8192xf32, #tpu.memory_space<vmem>>, vector<512xf32>
    %broadcast_in_dim3A_252 = vector.shape_cast %get3A_251 : vector<512xf32> to vector<1x512xf32>
    %add3A_253 = vector.broadcast %broadcast_in_dim3A_252 : vector<1x512xf32> to vector<1024x512xf32>
    %add3A_254 = arith.addf %sub3A_249, %add3A_253 : vector<1024x512xf32>
    %reduce_min3A_255 = arith.constant dense<0x7F800000> : vector<1024xf32>
    %reduce_min3A_256 = vector.multi_reduction <minimumf>, %add3A_254, %reduce_min3A_255 [1] : vector<1024x512xf32> to vector<1024xf32>
    %iota3A_257 = tpu.iota {dimensions = array<i32: 1>} : vector<1024x512xi32>
    %add3A_258 = arith.constant 3584 : i32
    %add3A_259 = vector.broadcast %add3A_258 : i32 to vector<1024x512xi32>
    %add3A_260 = arith.addi %iota3A_257, %add3A_259 : vector<1024x512xi32>
    %broadcast_in_dim3A_261 = vector.shape_cast %reduce_min3A_256 : vector<1024xf32> to vector<1024x1xf32>
    %eq3A_262 = vector.broadcast %broadcast_in_dim3A_261 : vector<1024x1xf32> to vector<1024x512xf32>
    %eq3A_263 = arith.cmpf oeq, %add3A_254, %eq3A_262 : vector<1024x512xf32>
    %jit3A_264 = arith.constant 8192 : i32
    %broadcast_in_dim3A_265 = vector.broadcast %jit3A_264 : i32 to vector<1024x512xi32>
    %select_n3A_266 = arith.select %eq3A_263, %add3A_260, %broadcast_in_dim3A_265 : vector<1024x512xi1>, vector<1024x512xi32>
    %reduce_min3A_267 = arith.constant dense<2147483647> : vector<1024xi32>
    %reduce_min3A_268 = vector.multi_reduction <minsi>, %select_n3A_266, %reduce_min3A_267 [1] : vector<1024x512xi32> to vector<1024xi32>
    %lt3A_269 = arith.cmpf olt, %reduce_min3A_256, %select_n3A_235 : vector<1024xf32>
    %select_n3A_270 = arith.select %lt3A_269, %reduce_min3A_256, %select_n3A_235 : vector<1024xi1>, vector<1024xf32>
    %select_n3A_271 = arith.select %lt3A_269, %reduce_min3A_268, %select_n3A_236 : vector<1024xi1>, vector<1024xi32>
    %get3A_272 = arith.constant 4096 : index
    %get3A_273 = arith.constant 0 : index
    %get3A_274 = vector.load %arg2[%get3A_272, %get3A_273] : memref<8192x256xbf16, #tpu.memory_space<vmem>>, vector<512x256xbf16>
    %get3A_275 = arith.constant 4096 : index
    %get3A_276 = arith.constant 0 : index
    %get3A_277 = vector.load %arg3[%get3A_275, %get3A_276] : memref<8192x256xbf16, #tpu.memory_space<vmem>>, vector<512x256xbf16>
    %dot_general3A_278 = arith.constant dense<0.000000e+00> : vector<1024x512xf32>
    %dot_general3A_279 = tpu.matmul %get3A_1, %get3A_274, %dot_general3A_278 {dimension_numbers = #tpu.dot_dimension_numbers<[1], [1], [0], [0], [0, 0, 1, 0], [], []>, transpose_lhs_hint = false} : vector<1024x256xbf16>, vector<512x256xbf16>, vector<1024x512xf32> -> vector<1024x512xf32>
    %dot_general3A_280 = arith.constant dense<0.000000e+00> : vector<1024x512xf32>
    %dot_general3A_281 = tpu.matmul %get3A_1, %get3A_277, %dot_general3A_280 {dimension_numbers = #tpu.dot_dimension_numbers<[1], [1], [0], [0], [0, 0, 1, 0], [], []>, transpose_lhs_hint = false} : vector<1024x256xbf16>, vector<512x256xbf16>, vector<1024x512xf32> -> vector<1024x512xf32>
    %add3A_282 = arith.addf %dot_general3A_279, %dot_general3A_281 : vector<1024x512xf32>
    %sub3A_283 = vector.broadcast %get3A_4 : vector<1024x1xf32> to vector<1024x512xf32>
    %sub3A_284 = arith.subf %sub3A_283, %add3A_282 : vector<1024x512xf32>
    %get3A_285 = arith.constant 4096 : index
    %get3A_286 = vector.load %arg5[%get3A_285] : memref<8192xf32, #tpu.memory_space<vmem>>, vector<512xf32>
    %broadcast_in_dim3A_287 = vector.shape_cast %get3A_286 : vector<512xf32> to vector<1x512xf32>
    %add3A_288 = vector.broadcast %broadcast_in_dim3A_287 : vector<1x512xf32> to vector<1024x512xf32>
    %add3A_289 = arith.addf %sub3A_284, %add3A_288 : vector<1024x512xf32>
    %reduce_min3A_290 = arith.constant dense<0x7F800000> : vector<1024xf32>
    %reduce_min3A_291 = vector.multi_reduction <minimumf>, %add3A_289, %reduce_min3A_290 [1] : vector<1024x512xf32> to vector<1024xf32>
    %iota3A_292 = tpu.iota {dimensions = array<i32: 1>} : vector<1024x512xi32>
    %add3A_293 = arith.constant 4096 : i32
    %add3A_294 = vector.broadcast %add3A_293 : i32 to vector<1024x512xi32>
    %add3A_295 = arith.addi %iota3A_292, %add3A_294 : vector<1024x512xi32>
    %broadcast_in_dim3A_296 = vector.shape_cast %reduce_min3A_291 : vector<1024xf32> to vector<1024x1xf32>
    %eq3A_297 = vector.broadcast %broadcast_in_dim3A_296 : vector<1024x1xf32> to vector<1024x512xf32>
    %eq3A_298 = arith.cmpf oeq, %add3A_289, %eq3A_297 : vector<1024x512xf32>
    %jit3A_299 = arith.constant 8192 : i32
    %broadcast_in_dim3A_300 = vector.broadcast %jit3A_299 : i32 to vector<1024x512xi32>
    %select_n3A_301 = arith.select %eq3A_298, %add3A_295, %broadcast_in_dim3A_300 : vector<1024x512xi1>, vector<1024x512xi32>
    %reduce_min3A_302 = arith.constant dense<2147483647> : vector<1024xi32>
    %reduce_min3A_303 = vector.multi_reduction <minsi>, %select_n3A_301, %reduce_min3A_302 [1] : vector<1024x512xi32> to vector<1024xi32>
    %get3A_304 = arith.constant 4608 : index
    %get3A_305 = arith.constant 0 : index
    %get3A_306 = vector.load %arg2[%get3A_304, %get3A_305] : memref<8192x256xbf16, #tpu.memory_space<vmem>>, vector<512x256xbf16>
    %get3A_307 = arith.constant 4608 : index
    %get3A_308 = arith.constant 0 : index
    %get3A_309 = vector.load %arg3[%get3A_307, %get3A_308] : memref<8192x256xbf16, #tpu.memory_space<vmem>>, vector<512x256xbf16>
    %dot_general3A_310 = arith.constant dense<0.000000e+00> : vector<1024x512xf32>
    %dot_general3A_311 = tpu.matmul %get3A_1, %get3A_306, %dot_general3A_310 {dimension_numbers = #tpu.dot_dimension_numbers<[1], [1], [0], [0], [0, 0, 1, 0], [], []>, transpose_lhs_hint = false} : vector<1024x256xbf16>, vector<512x256xbf16>, vector<1024x512xf32> -> vector<1024x512xf32>
    %dot_general3A_312 = arith.constant dense<0.000000e+00> : vector<1024x512xf32>
    %dot_general3A_313 = tpu.matmul %get3A_1, %get3A_309, %dot_general3A_312 {dimension_numbers = #tpu.dot_dimension_numbers<[1], [1], [0], [0], [0, 0, 1, 0], [], []>, transpose_lhs_hint = false} : vector<1024x256xbf16>, vector<512x256xbf16>, vector<1024x512xf32> -> vector<1024x512xf32>
    %add3A_314 = arith.addf %dot_general3A_311, %dot_general3A_313 : vector<1024x512xf32>
    %sub3A_315 = vector.broadcast %get3A_4 : vector<1024x1xf32> to vector<1024x512xf32>
    %sub3A_316 = arith.subf %sub3A_315, %add3A_314 : vector<1024x512xf32>
    %get3A_317 = arith.constant 4608 : index
    %get3A_318 = vector.load %arg5[%get3A_317] : memref<8192xf32, #tpu.memory_space<vmem>>, vector<512xf32>
    %broadcast_in_dim3A_319 = vector.shape_cast %get3A_318 : vector<512xf32> to vector<1x512xf32>
    %add3A_320 = vector.broadcast %broadcast_in_dim3A_319 : vector<1x512xf32> to vector<1024x512xf32>
    %add3A_321 = arith.addf %sub3A_316, %add3A_320 : vector<1024x512xf32>
    %reduce_min3A_322 = arith.constant dense<0x7F800000> : vector<1024xf32>
    %reduce_min3A_323 = vector.multi_reduction <minimumf>, %add3A_321, %reduce_min3A_322 [1] : vector<1024x512xf32> to vector<1024xf32>
    %iota3A_324 = tpu.iota {dimensions = array<i32: 1>} : vector<1024x512xi32>
    %add3A_325 = arith.constant 4608 : i32
    %add3A_326 = vector.broadcast %add3A_325 : i32 to vector<1024x512xi32>
    %add3A_327 = arith.addi %iota3A_324, %add3A_326 : vector<1024x512xi32>
    %broadcast_in_dim3A_328 = vector.shape_cast %reduce_min3A_323 : vector<1024xf32> to vector<1024x1xf32>
    %eq3A_329 = vector.broadcast %broadcast_in_dim3A_328 : vector<1024x1xf32> to vector<1024x512xf32>
    %eq3A_330 = arith.cmpf oeq, %add3A_321, %eq3A_329 : vector<1024x512xf32>
    %jit3A_331 = arith.constant 8192 : i32
    %broadcast_in_dim3A_332 = vector.broadcast %jit3A_331 : i32 to vector<1024x512xi32>
    %select_n3A_333 = arith.select %eq3A_330, %add3A_327, %broadcast_in_dim3A_332 : vector<1024x512xi1>, vector<1024x512xi32>
    %reduce_min3A_334 = arith.constant dense<2147483647> : vector<1024xi32>
    %reduce_min3A_335 = vector.multi_reduction <minsi>, %select_n3A_333, %reduce_min3A_334 [1] : vector<1024x512xi32> to vector<1024xi32>
    %lt3A_336 = arith.cmpf olt, %reduce_min3A_323, %reduce_min3A_291 : vector<1024xf32>
    %select_n3A_337 = arith.select %lt3A_336, %reduce_min3A_323, %reduce_min3A_291 : vector<1024xi1>, vector<1024xf32>
    %select_n3A_338 = arith.select %lt3A_336, %reduce_min3A_335, %reduce_min3A_303 : vector<1024xi1>, vector<1024xi32>
    %get3A_339 = arith.constant 5120 : index
    %get3A_340 = arith.constant 0 : index
    %get3A_341 = vector.load %arg2[%get3A_339, %get3A_340] : memref<8192x256xbf16, #tpu.memory_space<vmem>>, vector<512x256xbf16>
    %get3A_342 = arith.constant 5120 : index
    %get3A_343 = arith.constant 0 : index
    %get3A_344 = vector.load %arg3[%get3A_342, %get3A_343] : memref<8192x256xbf16, #tpu.memory_space<vmem>>, vector<512x256xbf16>
    %dot_general3A_345 = arith.constant dense<0.000000e+00> : vector<1024x512xf32>
    %dot_general3A_346 = tpu.matmul %get3A_1, %get3A_341, %dot_general3A_345 {dimension_numbers = #tpu.dot_dimension_numbers<[1], [1], [0], [0], [0, 0, 1, 0], [], []>, transpose_lhs_hint = false} : vector<1024x256xbf16>, vector<512x256xbf16>, vector<1024x512xf32> -> vector<1024x512xf32>
    %dot_general3A_347 = arith.constant dense<0.000000e+00> : vector<1024x512xf32>
    %dot_general3A_348 = tpu.matmul %get3A_1, %get3A_344, %dot_general3A_347 {dimension_numbers = #tpu.dot_dimension_numbers<[1], [1], [0], [0], [0, 0, 1, 0], [], []>, transpose_lhs_hint = false} : vector<1024x256xbf16>, vector<512x256xbf16>, vector<1024x512xf32> -> vector<1024x512xf32>
    %add3A_349 = arith.addf %dot_general3A_346, %dot_general3A_348 : vector<1024x512xf32>
    %sub3A_350 = vector.broadcast %get3A_4 : vector<1024x1xf32> to vector<1024x512xf32>
    %sub3A_351 = arith.subf %sub3A_350, %add3A_349 : vector<1024x512xf32>
    %get3A_352 = arith.constant 5120 : index
    %get3A_353 = vector.load %arg5[%get3A_352] : memref<8192xf32, #tpu.memory_space<vmem>>, vector<512xf32>
    %broadcast_in_dim3A_354 = vector.shape_cast %get3A_353 : vector<512xf32> to vector<1x512xf32>
    %add3A_355 = vector.broadcast %broadcast_in_dim3A_354 : vector<1x512xf32> to vector<1024x512xf32>
    %add3A_356 = arith.addf %sub3A_351, %add3A_355 : vector<1024x512xf32>
    %reduce_min3A_357 = arith.constant dense<0x7F800000> : vector<1024xf32>
    %reduce_min3A_358 = vector.multi_reduction <minimumf>, %add3A_356, %reduce_min3A_357 [1] : vector<1024x512xf32> to vector<1024xf32>
    %iota3A_359 = tpu.iota {dimensions = array<i32: 1>} : vector<1024x512xi32>
    %add3A_360 = arith.constant 5120 : i32
    %add3A_361 = vector.broadcast %add3A_360 : i32 to vector<1024x512xi32>
    %add3A_362 = arith.addi %iota3A_359, %add3A_361 : vector<1024x512xi32>
    %broadcast_in_dim3A_363 = vector.shape_cast %reduce_min3A_358 : vector<1024xf32> to vector<1024x1xf32>
    %eq3A_364 = vector.broadcast %broadcast_in_dim3A_363 : vector<1024x1xf32> to vector<1024x512xf32>
    %eq3A_365 = arith.cmpf oeq, %add3A_356, %eq3A_364 : vector<1024x512xf32>
    %jit3A_366 = arith.constant 8192 : i32
    %broadcast_in_dim3A_367 = vector.broadcast %jit3A_366 : i32 to vector<1024x512xi32>
    %select_n3A_368 = arith.select %eq3A_365, %add3A_362, %broadcast_in_dim3A_367 : vector<1024x512xi1>, vector<1024x512xi32>
    %reduce_min3A_369 = arith.constant dense<2147483647> : vector<1024xi32>
    %reduce_min3A_370 = vector.multi_reduction <minsi>, %select_n3A_368, %reduce_min3A_369 [1] : vector<1024x512xi32> to vector<1024xi32>
    %lt3A_371 = arith.cmpf olt, %reduce_min3A_358, %select_n3A_337 : vector<1024xf32>
    %select_n3A_372 = arith.select %lt3A_371, %reduce_min3A_358, %select_n3A_337 : vector<1024xi1>, vector<1024xf32>
    %select_n3A_373 = arith.select %lt3A_371, %reduce_min3A_370, %select_n3A_338 : vector<1024xi1>, vector<1024xi32>
    %get3A_374 = arith.constant 5632 : index
    %get3A_375 = arith.constant 0 : index
    %get3A_376 = vector.load %arg2[%get3A_374, %get3A_375] : memref<8192x256xbf16, #tpu.memory_space<vmem>>, vector<512x256xbf16>
    %get3A_377 = arith.constant 5632 : index
    %get3A_378 = arith.constant 0 : index
    %get3A_379 = vector.load %arg3[%get3A_377, %get3A_378] : memref<8192x256xbf16, #tpu.memory_space<vmem>>, vector<512x256xbf16>
    %dot_general3A_380 = arith.constant dense<0.000000e+00> : vector<1024x512xf32>
    %dot_general3A_381 = tpu.matmul %get3A_1, %get3A_376, %dot_general3A_380 {dimension_numbers = #tpu.dot_dimension_numbers<[1], [1], [0], [0], [0, 0, 1, 0], [], []>, transpose_lhs_hint = false} : vector<1024x256xbf16>, vector<512x256xbf16>, vector<1024x512xf32> -> vector<1024x512xf32>
    %dot_general3A_382 = arith.constant dense<0.000000e+00> : vector<1024x512xf32>
    %dot_general3A_383 = tpu.matmul %get3A_1, %get3A_379, %dot_general3A_382 {dimension_numbers = #tpu.dot_dimension_numbers<[1], [1], [0], [0], [0, 0, 1, 0], [], []>, transpose_lhs_hint = false} : vector<1024x256xbf16>, vector<512x256xbf16>, vector<1024x512xf32> -> vector<1024x512xf32>
    %add3A_384 = arith.addf %dot_general3A_381, %dot_general3A_383 : vector<1024x512xf32>
    %sub3A_385 = vector.broadcast %get3A_4 : vector<1024x1xf32> to vector<1024x512xf32>
    %sub3A_386 = arith.subf %sub3A_385, %add3A_384 : vector<1024x512xf32>
    %get3A_387 = arith.constant 5632 : index
    %get3A_388 = vector.load %arg5[%get3A_387] : memref<8192xf32, #tpu.memory_space<vmem>>, vector<512xf32>
    %broadcast_in_dim3A_389 = vector.shape_cast %get3A_388 : vector<512xf32> to vector<1x512xf32>
    %add3A_390 = vector.broadcast %broadcast_in_dim3A_389 : vector<1x512xf32> to vector<1024x512xf32>
    %add3A_391 = arith.addf %sub3A_386, %add3A_390 : vector<1024x512xf32>
    %reduce_min3A_392 = arith.constant dense<0x7F800000> : vector<1024xf32>
    %reduce_min3A_393 = vector.multi_reduction <minimumf>, %add3A_391, %reduce_min3A_392 [1] : vector<1024x512xf32> to vector<1024xf32>
    %iota3A_394 = tpu.iota {dimensions = array<i32: 1>} : vector<1024x512xi32>
    %add3A_395 = arith.constant 5632 : i32
    %add3A_396 = vector.broadcast %add3A_395 : i32 to vector<1024x512xi32>
    %add3A_397 = arith.addi %iota3A_394, %add3A_396 : vector<1024x512xi32>
    %broadcast_in_dim3A_398 = vector.shape_cast %reduce_min3A_393 : vector<1024xf32> to vector<1024x1xf32>
    %eq3A_399 = vector.broadcast %broadcast_in_dim3A_398 : vector<1024x1xf32> to vector<1024x512xf32>
    %eq3A_400 = arith.cmpf oeq, %add3A_391, %eq3A_399 : vector<1024x512xf32>
    %jit3A_401 = arith.constant 8192 : i32
    %broadcast_in_dim3A_402 = vector.broadcast %jit3A_401 : i32 to vector<1024x512xi32>
    %select_n3A_403 = arith.select %eq3A_400, %add3A_397, %broadcast_in_dim3A_402 : vector<1024x512xi1>, vector<1024x512xi32>
    %reduce_min3A_404 = arith.constant dense<2147483647> : vector<1024xi32>
    %reduce_min3A_405 = vector.multi_reduction <minsi>, %select_n3A_403, %reduce_min3A_404 [1] : vector<1024x512xi32> to vector<1024xi32>
    %lt3A_406 = arith.cmpf olt, %reduce_min3A_393, %select_n3A_372 : vector<1024xf32>
    %select_n3A_407 = arith.select %lt3A_406, %reduce_min3A_393, %select_n3A_372 : vector<1024xi1>, vector<1024xf32>
    %select_n3A_408 = arith.select %lt3A_406, %reduce_min3A_405, %select_n3A_373 : vector<1024xi1>, vector<1024xi32>
    %get3A_409 = arith.constant 6144 : index
    %get3A_410 = arith.constant 0 : index
    %get3A_411 = vector.load %arg2[%get3A_409, %get3A_410] : memref<8192x256xbf16, #tpu.memory_space<vmem>>, vector<512x256xbf16>
    %get3A_412 = arith.constant 6144 : index
    %get3A_413 = arith.constant 0 : index
    %get3A_414 = vector.load %arg3[%get3A_412, %get3A_413] : memref<8192x256xbf16, #tpu.memory_space<vmem>>, vector<512x256xbf16>
    %dot_general3A_415 = arith.constant dense<0.000000e+00> : vector<1024x512xf32>
    %dot_general3A_416 = tpu.matmul %get3A_1, %get3A_411, %dot_general3A_415 {dimension_numbers = #tpu.dot_dimension_numbers<[1], [1], [0], [0], [0, 0, 1, 0], [], []>, transpose_lhs_hint = false} : vector<1024x256xbf16>, vector<512x256xbf16>, vector<1024x512xf32> -> vector<1024x512xf32>
    %dot_general3A_417 = arith.constant dense<0.000000e+00> : vector<1024x512xf32>
    %dot_general3A_418 = tpu.matmul %get3A_1, %get3A_414, %dot_general3A_417 {dimension_numbers = #tpu.dot_dimension_numbers<[1], [1], [0], [0], [0, 0, 1, 0], [], []>, transpose_lhs_hint = false} : vector<1024x256xbf16>, vector<512x256xbf16>, vector<1024x512xf32> -> vector<1024x512xf32>
    %add3A_419 = arith.addf %dot_general3A_416, %dot_general3A_418 : vector<1024x512xf32>
    %sub3A_420 = vector.broadcast %get3A_4 : vector<1024x1xf32> to vector<1024x512xf32>
    %sub3A_421 = arith.subf %sub3A_420, %add3A_419 : vector<1024x512xf32>
    %get3A_422 = arith.constant 6144 : index
    %get3A_423 = vector.load %arg5[%get3A_422] : memref<8192xf32, #tpu.memory_space<vmem>>, vector<512xf32>
    %broadcast_in_dim3A_424 = vector.shape_cast %get3A_423 : vector<512xf32> to vector<1x512xf32>
    %add3A_425 = vector.broadcast %broadcast_in_dim3A_424 : vector<1x512xf32> to vector<1024x512xf32>
    %add3A_426 = arith.addf %sub3A_421, %add3A_425 : vector<1024x512xf32>
    %reduce_min3A_427 = arith.constant dense<0x7F800000> : vector<1024xf32>
    %reduce_min3A_428 = vector.multi_reduction <minimumf>, %add3A_426, %reduce_min3A_427 [1] : vector<1024x512xf32> to vector<1024xf32>
    %iota3A_429 = tpu.iota {dimensions = array<i32: 1>} : vector<1024x512xi32>
    %add3A_430 = arith.constant 6144 : i32
    %add3A_431 = vector.broadcast %add3A_430 : i32 to vector<1024x512xi32>
    %add3A_432 = arith.addi %iota3A_429, %add3A_431 : vector<1024x512xi32>
    %broadcast_in_dim3A_433 = vector.shape_cast %reduce_min3A_428 : vector<1024xf32> to vector<1024x1xf32>
    %eq3A_434 = vector.broadcast %broadcast_in_dim3A_433 : vector<1024x1xf32> to vector<1024x512xf32>
    %eq3A_435 = arith.cmpf oeq, %add3A_426, %eq3A_434 : vector<1024x512xf32>
    %jit3A_436 = arith.constant 8192 : i32
    %broadcast_in_dim3A_437 = vector.broadcast %jit3A_436 : i32 to vector<1024x512xi32>
    %select_n3A_438 = arith.select %eq3A_435, %add3A_432, %broadcast_in_dim3A_437 : vector<1024x512xi1>, vector<1024x512xi32>
    %reduce_min3A_439 = arith.constant dense<2147483647> : vector<1024xi32>
    %reduce_min3A_440 = vector.multi_reduction <minsi>, %select_n3A_438, %reduce_min3A_439 [1] : vector<1024x512xi32> to vector<1024xi32>
    %lt3A_441 = arith.cmpf olt, %reduce_min3A_428, %select_n3A_407 : vector<1024xf32>
    %select_n3A_442 = arith.select %lt3A_441, %reduce_min3A_428, %select_n3A_407 : vector<1024xi1>, vector<1024xf32>
    %select_n3A_443 = arith.select %lt3A_441, %reduce_min3A_440, %select_n3A_408 : vector<1024xi1>, vector<1024xi32>
    %get3A_444 = arith.constant 6656 : index
    %get3A_445 = arith.constant 0 : index
    %get3A_446 = vector.load %arg2[%get3A_444, %get3A_445] : memref<8192x256xbf16, #tpu.memory_space<vmem>>, vector<512x256xbf16>
    %get3A_447 = arith.constant 6656 : index
    %get3A_448 = arith.constant 0 : index
    %get3A_449 = vector.load %arg3[%get3A_447, %get3A_448] : memref<8192x256xbf16, #tpu.memory_space<vmem>>, vector<512x256xbf16>
    %dot_general3A_450 = arith.constant dense<0.000000e+00> : vector<1024x512xf32>
    %dot_general3A_451 = tpu.matmul %get3A_1, %get3A_446, %dot_general3A_450 {dimension_numbers = #tpu.dot_dimension_numbers<[1], [1], [0], [0], [0, 0, 1, 0], [], []>, transpose_lhs_hint = false} : vector<1024x256xbf16>, vector<512x256xbf16>, vector<1024x512xf32> -> vector<1024x512xf32>
    %dot_general3A_452 = arith.constant dense<0.000000e+00> : vector<1024x512xf32>
    %dot_general3A_453 = tpu.matmul %get3A_1, %get3A_449, %dot_general3A_452 {dimension_numbers = #tpu.dot_dimension_numbers<[1], [1], [0], [0], [0, 0, 1, 0], [], []>, transpose_lhs_hint = false} : vector<1024x256xbf16>, vector<512x256xbf16>, vector<1024x512xf32> -> vector<1024x512xf32>
    %add3A_454 = arith.addf %dot_general3A_451, %dot_general3A_453 : vector<1024x512xf32>
    %sub3A_455 = vector.broadcast %get3A_4 : vector<1024x1xf32> to vector<1024x512xf32>
    %sub3A_456 = arith.subf %sub3A_455, %add3A_454 : vector<1024x512xf32>
    %get3A_457 = arith.constant 6656 : index
    %get3A_458 = vector.load %arg5[%get3A_457] : memref<8192xf32, #tpu.memory_space<vmem>>, vector<512xf32>
    %broadcast_in_dim3A_459 = vector.shape_cast %get3A_458 : vector<512xf32> to vector<1x512xf32>
    %add3A_460 = vector.broadcast %broadcast_in_dim3A_459 : vector<1x512xf32> to vector<1024x512xf32>
    %add3A_461 = arith.addf %sub3A_456, %add3A_460 : vector<1024x512xf32>
    %reduce_min3A_462 = arith.constant dense<0x7F800000> : vector<1024xf32>
    %reduce_min3A_463 = vector.multi_reduction <minimumf>, %add3A_461, %reduce_min3A_462 [1] : vector<1024x512xf32> to vector<1024xf32>
    %iota3A_464 = tpu.iota {dimensions = array<i32: 1>} : vector<1024x512xi32>
    %add3A_465 = arith.constant 6656 : i32
    %add3A_466 = vector.broadcast %add3A_465 : i32 to vector<1024x512xi32>
    %add3A_467 = arith.addi %iota3A_464, %add3A_466 : vector<1024x512xi32>
    %broadcast_in_dim3A_468 = vector.shape_cast %reduce_min3A_463 : vector<1024xf32> to vector<1024x1xf32>
    %eq3A_469 = vector.broadcast %broadcast_in_dim3A_468 : vector<1024x1xf32> to vector<1024x512xf32>
    %eq3A_470 = arith.cmpf oeq, %add3A_461, %eq3A_469 : vector<1024x512xf32>
    %jit3A_471 = arith.constant 8192 : i32
    %broadcast_in_dim3A_472 = vector.broadcast %jit3A_471 : i32 to vector<1024x512xi32>
    %select_n3A_473 = arith.select %eq3A_470, %add3A_467, %broadcast_in_dim3A_472 : vector<1024x512xi1>, vector<1024x512xi32>
    %reduce_min3A_474 = arith.constant dense<2147483647> : vector<1024xi32>
    %reduce_min3A_475 = vector.multi_reduction <minsi>, %select_n3A_473, %reduce_min3A_474 [1] : vector<1024x512xi32> to vector<1024xi32>
    %lt3A_476 = arith.cmpf olt, %reduce_min3A_463, %select_n3A_442 : vector<1024xf32>
    %select_n3A_477 = arith.select %lt3A_476, %reduce_min3A_463, %select_n3A_442 : vector<1024xi1>, vector<1024xf32>
    %select_n3A_478 = arith.select %lt3A_476, %reduce_min3A_475, %select_n3A_443 : vector<1024xi1>, vector<1024xi32>
    %get3A_479 = arith.constant 7168 : index
    %get3A_480 = arith.constant 0 : index
    %get3A_481 = vector.load %arg2[%get3A_479, %get3A_480] : memref<8192x256xbf16, #tpu.memory_space<vmem>>, vector<512x256xbf16>
    %get3A_482 = arith.constant 7168 : index
    %get3A_483 = arith.constant 0 : index
    %get3A_484 = vector.load %arg3[%get3A_482, %get3A_483] : memref<8192x256xbf16, #tpu.memory_space<vmem>>, vector<512x256xbf16>
    %dot_general3A_485 = arith.constant dense<0.000000e+00> : vector<1024x512xf32>
    %dot_general3A_486 = tpu.matmul %get3A_1, %get3A_481, %dot_general3A_485 {dimension_numbers = #tpu.dot_dimension_numbers<[1], [1], [0], [0], [0, 0, 1, 0], [], []>, transpose_lhs_hint = false} : vector<1024x256xbf16>, vector<512x256xbf16>, vector<1024x512xf32> -> vector<1024x512xf32>
    %dot_general3A_487 = arith.constant dense<0.000000e+00> : vector<1024x512xf32>
    %dot_general3A_488 = tpu.matmul %get3A_1, %get3A_484, %dot_general3A_487 {dimension_numbers = #tpu.dot_dimension_numbers<[1], [1], [0], [0], [0, 0, 1, 0], [], []>, transpose_lhs_hint = false} : vector<1024x256xbf16>, vector<512x256xbf16>, vector<1024x512xf32> -> vector<1024x512xf32>
    %add3A_489 = arith.addf %dot_general3A_486, %dot_general3A_488 : vector<1024x512xf32>
    %sub3A_490 = vector.broadcast %get3A_4 : vector<1024x1xf32> to vector<1024x512xf32>
    %sub3A_491 = arith.subf %sub3A_490, %add3A_489 : vector<1024x512xf32>
    %get3A_492 = arith.constant 7168 : index
    %get3A_493 = vector.load %arg5[%get3A_492] : memref<8192xf32, #tpu.memory_space<vmem>>, vector<512xf32>
    %broadcast_in_dim3A_494 = vector.shape_cast %get3A_493 : vector<512xf32> to vector<1x512xf32>
    %add3A_495 = vector.broadcast %broadcast_in_dim3A_494 : vector<1x512xf32> to vector<1024x512xf32>
    %add3A_496 = arith.addf %sub3A_491, %add3A_495 : vector<1024x512xf32>
    %reduce_min3A_497 = arith.constant dense<0x7F800000> : vector<1024xf32>
    %reduce_min3A_498 = vector.multi_reduction <minimumf>, %add3A_496, %reduce_min3A_497 [1] : vector<1024x512xf32> to vector<1024xf32>
    %iota3A_499 = tpu.iota {dimensions = array<i32: 1>} : vector<1024x512xi32>
    %add3A_500 = arith.constant 7168 : i32
    %add3A_501 = vector.broadcast %add3A_500 : i32 to vector<1024x512xi32>
    %add3A_502 = arith.addi %iota3A_499, %add3A_501 : vector<1024x512xi32>
    %broadcast_in_dim3A_503 = vector.shape_cast %reduce_min3A_498 : vector<1024xf32> to vector<1024x1xf32>
    %eq3A_504 = vector.broadcast %broadcast_in_dim3A_503 : vector<1024x1xf32> to vector<1024x512xf32>
    %eq3A_505 = arith.cmpf oeq, %add3A_496, %eq3A_504 : vector<1024x512xf32>
    %jit3A_506 = arith.constant 8192 : i32
    %broadcast_in_dim3A_507 = vector.broadcast %jit3A_506 : i32 to vector<1024x512xi32>
    %select_n3A_508 = arith.select %eq3A_505, %add3A_502, %broadcast_in_dim3A_507 : vector<1024x512xi1>, vector<1024x512xi32>
    %reduce_min3A_509 = arith.constant dense<2147483647> : vector<1024xi32>
    %reduce_min3A_510 = vector.multi_reduction <minsi>, %select_n3A_508, %reduce_min3A_509 [1] : vector<1024x512xi32> to vector<1024xi32>
    %lt3A_511 = arith.cmpf olt, %reduce_min3A_498, %select_n3A_477 : vector<1024xf32>
    %select_n3A_512 = arith.select %lt3A_511, %reduce_min3A_498, %select_n3A_477 : vector<1024xi1>, vector<1024xf32>
    %select_n3A_513 = arith.select %lt3A_511, %reduce_min3A_510, %select_n3A_478 : vector<1024xi1>, vector<1024xi32>
    %get3A_514 = arith.constant 7680 : index
    %get3A_515 = arith.constant 0 : index
    %get3A_516 = vector.load %arg2[%get3A_514, %get3A_515] : memref<8192x256xbf16, #tpu.memory_space<vmem>>, vector<512x256xbf16>
    %get3A_517 = arith.constant 7680 : index
    %get3A_518 = arith.constant 0 : index
    %get3A_519 = vector.load %arg3[%get3A_517, %get3A_518] : memref<8192x256xbf16, #tpu.memory_space<vmem>>, vector<512x256xbf16>
    %dot_general3A_520 = arith.constant dense<0.000000e+00> : vector<1024x512xf32>
    %dot_general3A_521 = tpu.matmul %get3A_1, %get3A_516, %dot_general3A_520 {dimension_numbers = #tpu.dot_dimension_numbers<[1], [1], [0], [0], [0, 0, 1, 0], [], []>, transpose_lhs_hint = false} : vector<1024x256xbf16>, vector<512x256xbf16>, vector<1024x512xf32> -> vector<1024x512xf32>
    %dot_general3A_522 = arith.constant dense<0.000000e+00> : vector<1024x512xf32>
    %dot_general3A_523 = tpu.matmul %get3A_1, %get3A_519, %dot_general3A_522 {dimension_numbers = #tpu.dot_dimension_numbers<[1], [1], [0], [0], [0, 0, 1, 0], [], []>, transpose_lhs_hint = false} : vector<1024x256xbf16>, vector<512x256xbf16>, vector<1024x512xf32> -> vector<1024x512xf32>
    %add3A_524 = arith.addf %dot_general3A_521, %dot_general3A_523 : vector<1024x512xf32>
    %sub3A_525 = vector.broadcast %get3A_4 : vector<1024x1xf32> to vector<1024x512xf32>
    %sub3A_526 = arith.subf %sub3A_525, %add3A_524 : vector<1024x512xf32>
    %get3A_527 = arith.constant 7680 : index
    %get3A_528 = vector.load %arg5[%get3A_527] : memref<8192xf32, #tpu.memory_space<vmem>>, vector<512xf32>
    %broadcast_in_dim3A_529 = vector.shape_cast %get3A_528 : vector<512xf32> to vector<1x512xf32>
    %add3A_530 = vector.broadcast %broadcast_in_dim3A_529 : vector<1x512xf32> to vector<1024x512xf32>
    %add3A_531 = arith.addf %sub3A_526, %add3A_530 : vector<1024x512xf32>
    %reduce_min3A_532 = arith.constant dense<0x7F800000> : vector<1024xf32>
    %reduce_min3A_533 = vector.multi_reduction <minimumf>, %add3A_531, %reduce_min3A_532 [1] : vector<1024x512xf32> to vector<1024xf32>
    %iota3A_534 = tpu.iota {dimensions = array<i32: 1>} : vector<1024x512xi32>
    %add3A_535 = arith.constant 7680 : i32
    %add3A_536 = vector.broadcast %add3A_535 : i32 to vector<1024x512xi32>
    %add3A_537 = arith.addi %iota3A_534, %add3A_536 : vector<1024x512xi32>
    %broadcast_in_dim3A_538 = vector.shape_cast %reduce_min3A_533 : vector<1024xf32> to vector<1024x1xf32>
    %eq3A_539 = vector.broadcast %broadcast_in_dim3A_538 : vector<1024x1xf32> to vector<1024x512xf32>
    %eq3A_540 = arith.cmpf oeq, %add3A_531, %eq3A_539 : vector<1024x512xf32>
    %jit3A_541 = arith.constant 8192 : i32
    %broadcast_in_dim3A_542 = vector.broadcast %jit3A_541 : i32 to vector<1024x512xi32>
    %select_n3A_543 = arith.select %eq3A_540, %add3A_537, %broadcast_in_dim3A_542 : vector<1024x512xi1>, vector<1024x512xi32>
    %reduce_min3A_544 = arith.constant dense<2147483647> : vector<1024xi32>
    %reduce_min3A_545 = vector.multi_reduction <minsi>, %select_n3A_543, %reduce_min3A_544 [1] : vector<1024x512xi32> to vector<1024xi32>
    %lt3A_546 = arith.cmpf olt, %reduce_min3A_533, %select_n3A_512 : vector<1024xf32>
    %select_n3A_547 = arith.select %lt3A_546, %reduce_min3A_533, %select_n3A_512 : vector<1024xi1>, vector<1024xf32>
    %select_n3A_548 = arith.select %lt3A_546, %reduce_min3A_545, %select_n3A_513 : vector<1024xi1>, vector<1024xi32>
    %convert_element_type3A = arith.truncf %select_n3A_270 : vector<1024xf32> to vector<1024xbf16>
    %convert_element_type3A_549 = arith.extf %convert_element_type3A : vector<1024xbf16> to vector<1024xf32>
    %lt3A_550 = arith.cmpf olt, %convert_element_type3A_549, %select_n3A_547 : vector<1024xf32>
    %eq3A_551 = arith.cmpf oeq, %convert_element_type3A_549, %select_n3A_547 : vector<1024xf32>
    %lt3A_552 = arith.cmpi slt, %select_n3A_271, %select_n3A_548 : vector<1024xi32>
    %and3A = arith.andi %eq3A_551, %lt3A_552 : vector<1024xi1>
    %or3A = arith.ori %lt3A_550, %and3A : vector<1024xi1>
    %select_n3A_553 = arith.select %or3A, %select_n3A_270, %select_n3A_547 : vector<1024xi1>, vector<1024xf32>
    %select_n3A_554 = arith.select %or3A, %select_n3A_271, %select_n3A_548 : vector<1024xi1>, vector<1024xi32>
    %swap3A = arith.constant 0 : index
    %swap3A_555 = vector.load %arg6[%swap3A] : memref<1024xi32, #tpu.memory_space<vmem>>, vector<1024xi32>
    tpu.vector_store %arg6[%swap3A], %select_n3A_554 {strides = array<i32>} : memref<1024xi32, #tpu.memory_space<vmem>>, vector<1024xi32>,
    %iota3A_556 = tpu.iota {dimensions = array<i32: 1>} : vector<1024x128xi32>
    %iota3A_557 = tpu.iota {dimensions = array<i32: 1>} : vector<1024x64xi32>
    %broadcast_in_dim3A_558 = vector.shape_cast %select_n3A_554 : vector<1024xi32> to vector<1024x1xi32>
    %shift_right_arithmetic3A = arith.constant 6 : i32
    %shift_right_arithmetic3A_559 = vector.broadcast %shift_right_arithmetic3A : i32 to vector<1024x1xi32>
    %shift_right_arithmetic3A_560 = arith.shrsi %broadcast_in_dim3A_558, %shift_right_arithmetic3A_559 : vector<1024x1xi32>
    %eq3A_561 = vector.broadcast %shift_right_arithmetic3A_560 : vector<1024x1xi32> to vector<1024x128xi32>
    %eq3A_562 = arith.cmpi eq, %eq3A_561, %iota3A_556 : vector<1024x128xi32>
    %convert_element_type3A_563 = arith.extui %eq3A_562 : vector<1024x128xi1> to vector<1024x128xi32>
    %convert_element_type3A_564 = arith.sitofp %convert_element_type3A_563 : vector<1024x128xi32> to vector<1024x128xf32>
    %broadcast_in_dim3A_565 = vector.shape_cast %select_n3A_554 : vector<1024xi32> to vector<1024x1xi32>
    %and3A_566 = arith.constant 63 : i32
    %and3A_567 = vector.broadcast %and3A_566 : i32 to vector<1024x1xi32>
    %and3A_568 = arith.andi %broadcast_in_dim3A_565, %and3A_567 : vector<1024x1xi32>
    %eq3A_569 = vector.broadcast %and3A_568 : vector<1024x1xi32> to vector<1024x64xi32>
    %eq3A_570 = arith.cmpi eq, %eq3A_569, %iota3A_557 : vector<1024x64xi32>
    %convert_element_type3A_571 = arith.extui %eq3A_570 : vector<1024x64xi1> to vector<1024x64xi32>
    %convert_element_type3A_572 = arith.sitofp %convert_element_type3A_571 : vector<1024x64xi32> to vector<1024x64xf32>
    %dot_general3A_573 = arith.constant dense<0.000000e+00> : vector<128x64xf32>
    %dot_general3A_574 = tpu.matmul %convert_element_type3A_564, %convert_element_type3A_572, %dot_general3A_573 {dimension_numbers = #tpu.dot_dimension_numbers<[0], [0], [1], [1], [0, 1, 1, 1], [], []>, transpose_lhs_hint = false} : vector<1024x128xf32>, vector<1024x64xf32>, vector<128x64xf32> -> vector<128x64xf32>
    %eq3A_575 = arith.constant 0 : i32
    %eq3A_576 = arith.cmpi eq, %arg0, %eq3A_575 : i32
    %convert_element_type3A_577 = arith.extui %eq3A_576 : i1 to i32
    %cond3A = arith.constant 0 : i32
    %cond3A_578 = arith.cmpi ne, %convert_element_type3A_577, %cond3A : i32
    scf.if %cond3A_578 {
      %broadcast_in_dim3A_602 = arith.constant 0.000000e+00 : f32
      %broadcast_in_dim3A_603 = vector.broadcast %broadcast_in_dim3A_602 : f32 to vector<128x64xf32>
      %swap3A_604 = arith.constant 0 : index
      %swap3A_605 = arith.constant 0 : index
      %swap3A_606 = vector.load %arg7[%swap3A_604, %swap3A_605] : memref<128x64xf32, #tpu.memory_space<vmem>>, vector<128x64xf32>
      tpu.vector_store %arg7[%swap3A_604, %swap3A_605], %broadcast_in_dim3A_603 {strides = array<i32>} : memref<128x64xf32, #tpu.memory_space<vmem>>, vector<128x64xf32>,
      %swap3A_607 = arith.constant 0.000000e+00 : f32
      %swap3A_608 = arith.constant 0 : index
      %swap3A_609 = arith.constant 0 : index
      %swap3A_610 = memref.load %arg8[%swap3A_608, %swap3A_609] : memref<1x1xf32, #tpu.memory_space<smem>>
      memref.store %swap3A_607, %arg8[%swap3A_608, %swap3A_609] : memref<1x1xf32, #tpu.memory_space<smem>>
    } else {
    }
    %get3A_579 = arith.constant 0 : index
    %get3A_580 = arith.constant 0 : index
    %get3A_581 = vector.load %arg7[%get3A_579, %get3A_580] : memref<128x64xf32, #tpu.memory_space<vmem>>, vector<128x64xf32>
    %add3A_582 = arith.addf %get3A_581, %dot_general3A_574 : vector<128x64xf32>
    %swap3A_583 = arith.constant 0 : index
    %swap3A_584 = arith.constant 0 : index
    %swap3A_585 = vector.load %arg7[%swap3A_583, %swap3A_584] : memref<128x64xf32, #tpu.memory_space<vmem>>, vector<128x64xf32>
    tpu.vector_store %arg7[%swap3A_583, %swap3A_584], %add3A_582 {strides = array<i32>} : memref<128x64xf32, #tpu.memory_space<vmem>>, vector<128x64xf32>,
    %get3A_586 = arith.constant 0 : index
    %get3A_587 = arith.constant 0 : index
    %get3A_588 = memref.load %arg8[%get3A_586, %get3A_587] : memref<1x1xf32, #tpu.memory_space<smem>>
    %reduce_sum3A = vector.shape_cast %select_n3A_553 : vector<1024xf32> to vector<1x1024xf32>
    %reduce_sum3A_589 = arith.constant dense<0.000000e+00> : vector<1xf32>
    %reduce_sum3A_590 = vector.multi_reduction <add>, %reduce_sum3A, %reduce_sum3A_589 [1] : vector<1x1024xf32> to vector<1xf32>
    %reduce_sum3A_591 = vector.shape_cast %reduce_sum3A_590 : vector<1xf32> to vector<1x1xf32>
    %reduce_sum3A_592 = vector.extract %reduce_sum3A_591[0, 0] : f32 from vector<1x1xf32>
    %add3A_593 = arith.addf %get3A_588, %reduce_sum3A_592 : f32
    %swap3A_594 = arith.constant 0 : index
    %swap3A_595 = arith.constant 0 : index
    %swap3A_596 = memref.load %arg8[%swap3A_594, %swap3A_595] : memref<1x1xf32, #tpu.memory_space<smem>>
    memref.store %add3A_593, %arg8[%swap3A_594, %swap3A_595] : memref<1x1xf32, #tpu.memory_space<smem>>
    %eq3A_597 = arith.constant 15 : i32
    %eq3A_598 = arith.cmpi eq, %arg0, %eq3A_597 : i32
    %convert_element_type3A_599 = arith.extui %eq3A_598 : i1 to i32
    %cond3A_600 = arith.constant 0 : i32
    %cond3A_601 = arith.cmpi ne, %convert_element_type3A_599, %cond3A_600 : i32
    scf.if %cond3A_601 {
      %get3A_602 = arith.constant 0 : index
      %get3A_603 = arith.constant 0 : index
      %get3A_604 = memref.load %arg8[%get3A_602, %get3A_603] : memref<1x1xf32, #tpu.memory_space<smem>>
      %div3A = arith.constant 0x4A800000 : f32
      %div3A_605 = arith.divf %get3A_604, %div3A : f32
      %swap3A_606 = arith.constant 0 : index
      %swap3A_607 = arith.constant 0 : index
      %swap3A_608 = memref.load %arg8[%swap3A_606, %swap3A_607] : memref<1x1xf32, #tpu.memory_space<smem>>
      memref.store %div3A_605, %arg8[%swap3A_606, %swap3A_607] : memref<1x1xf32, #tpu.memory_space<smem>>
      %mul3A = arith.constant 2.500000e-01 : f32
      %mul3A_609 = arith.mulf %mul3A, %div3A_605 : f32
      %add3A_610 = arith.addf %div3A_605, %mul3A_609 : f32
      %swap3A_611 = arith.constant 0 : index
      %swap3A_612 = arith.constant 0 : index
      %swap3A_613 = memref.load %arg9[%swap3A_611, %swap3A_612] : memref<1x1xf32, #tpu.memory_space<smem>>
      memref.store %add3A_610, %arg9[%swap3A_611, %swap3A_612] : memref<1x1xf32, #tpu.memory_space<smem>>
      %get3A_614 = arith.constant 0 : index
      %get3A_615 = arith.constant 0 : index
      %get3A_616 = vector.load %arg7[%get3A_614, %get3A_615] : memref<128x64xf32, #tpu.memory_space<vmem>>, vector<128x64xf32>
      %reduce_sum3A_617 = vector.shape_cast %get3A_616 : vector<128x64xf32> to vector<1x128x64xf32>
      %reduce_sum3A_618 = arith.constant dense<0.000000e+00> : vector<1xf32>
      %reduce_sum3A_619 = vector.multi_reduction <add>, %reduce_sum3A_617, %reduce_sum3A_618 [1, 2] : vector<1x128x64xf32> to vector<1xf32>
      %reduce_sum3A_620 = vector.shape_cast %reduce_sum3A_619 : vector<1xf32> to vector<1x1x1xf32>
      %reduce_sum3A_621 = vector.extract %reduce_sum3A_620[0, 0, 0] : f32 from vector<1x1x1xf32>
      %max3A = arith.constant 1.000000e+00 : f32
      %max3A_622 = arith.maximumf %reduce_sum3A_621, %max3A : f32
      %div3A_623 = vector.broadcast %max3A_622 : f32 to vector<128x64xf32>
      %div3A_624 = arith.divf %get3A_616, %div3A_623 : vector<128x64xf32>
      %gt3A = arith.constant 0.000000e+00 : f32
      %gt3A_625 = vector.broadcast %gt3A : f32 to vector<128x64xf32>
      %gt3A_626 = arith.cmpf ogt, %div3A_624, %gt3A_625 : vector<128x64xf32>
      %jit3A_627 = arith.constant 1.000000e+00 : f32
      %broadcast_in_dim3A_628 = vector.broadcast %jit3A_627 : f32 to vector<128x64xf32>
      %select_n3A_629 = arith.select %gt3A_626, %div3A_624, %broadcast_in_dim3A_628 : vector<128x64xi1>, vector<128x64xf32>
      %log3A = math.log %select_n3A_629 : vector<128x64xf32>
      %mul3A_630 = arith.mulf %div3A_624, %log3A : vector<128x64xf32>
      %reduce_sum3A_631 = vector.shape_cast %mul3A_630 : vector<128x64xf32> to vector<1x128x64xf32>
      %reduce_sum3A_632 = arith.constant dense<0.000000e+00> : vector<1xf32>
      %reduce_sum3A_633 = vector.multi_reduction <add>, %reduce_sum3A_631, %reduce_sum3A_632 [1, 2] : vector<1x128x64xf32> to vector<1xf32>
      %reduce_sum3A_634 = vector.shape_cast %reduce_sum3A_633 : vector<1xf32> to vector<1x1x1xf32>
      %reduce_sum3A_635 = vector.extract %reduce_sum3A_634[0, 0, 0] : f32 from vector<1x1x1xf32>
      %neg3A = arith.constant 0.000000e+00 : f32
      %neg3A_636 = arith.subf %neg3A, %reduce_sum3A_635 : f32
      %exp3A = math.exp %neg3A_636 : f32
      %swap3A_637 = arith.constant 0 : index
      %swap3A_638 = arith.constant 0 : index
      %swap3A_639 = memref.load %arg10[%swap3A_637, %swap3A_638] : memref<1x1xf32, #tpu.memory_space<smem>>
      memref.store %exp3A, %arg10[%swap3A_637, %swap3A_638] : memref<1x1xf32, #tpu.memory_space<smem>>
      %lt3A_640 = arith.constant 2.000000e+00 : f32
      %lt3A_641 = vector.broadcast %lt3A_640 : f32 to vector<128x64xf32>
      %lt3A_642 = arith.cmpf olt, %get3A_616, %lt3A_641 : vector<128x64xf32>
      %convert_element_type3A_643 = arith.extui %lt3A_642 : vector<128x64xi1> to vector<128x64xi32>
      %reduce_sum3A_644 = vector.shape_cast %convert_element_type3A_643 : vector<128x64xi32> to vector<1x128x64xi32>
      %reduce_sum3A_645 = arith.constant dense<0> : vector<1xi32>
      %reduce_sum3A_646 = vector.multi_reduction <add>, %reduce_sum3A_644, %reduce_sum3A_645 [1, 2] : vector<1x128x64xi32> to vector<1xi32>
      %reduce_sum3A_647 = vector.shape_cast %reduce_sum3A_646 : vector<1xi32> to vector<1x1x1xi32>
      %reduce_sum3A_648 = vector.extract %reduce_sum3A_647[0, 0, 0] : i32 from vector<1x1x1xi32>
      %swap3A_649 = arith.constant 0 : index
      %swap3A_650 = arith.constant 0 : index
      %swap3A_651 = memref.load %arg11[%swap3A_649, %swap3A_650] : memref<1x1xi32, #tpu.memory_space<smem>>
      memref.store %reduce_sum3A_648, %arg11[%swap3A_649, %swap3A_650] : memref<1x1xi32, #tpu.memory_space<smem>>
    } else {
    }
    return
  }
  func.func @transform_0(%arg0: i32) -> (i32, i32) {
    %c0_i32 = arith.constant 0 : i32
    %c0_i32_0 = arith.constant 0 : i32
    return %arg0, %c0_i32 : i32, i32
  }
  func.func @transform_1(%arg0: i32) -> (i32, i32) {
    %c0_i32 = arith.constant 0 : i32
    %c0_i32_0 = arith.constant 0 : i32
    %c0_i32_1 = arith.constant 0 : i32
    return %c0_i32, %c0_i32_0 : i32, i32
  }
  func.func @transform_2(%arg0: i32) -> (i32, i32) {
    %c0_i32 = arith.constant 0 : i32
    %c0_i32_0 = arith.constant 0 : i32
    %c0_i32_1 = arith.constant 0 : i32
    return %c0_i32, %c0_i32_0 : i32, i32
  }
  func.func @transform_3(%arg0: i32) -> (i32, i32) {
    %c0_i32 = arith.constant 0 : i32
    %c0_i32_0 = arith.constant 0 : i32
    return %arg0, %c0_i32 : i32, i32
  }
  func.func @transform_4(%arg0: i32) -> i32 {
    %c0_i32 = arith.constant 0 : i32
    %c0_i32_0 = arith.constant 0 : i32
    return %c0_i32 : i32
  }
  func.func @transform_5(%arg0: i32) -> i32 {
    %c0_i32 = arith.constant 0 : i32
    return %arg0 : i32
  }
  func.func @transform_6(%arg0: i32) -> (i32, i32) {
    %c0_i32 = arith.constant 0 : i32
    %c0_i32_0 = arith.constant 0 : i32
    %c0_i32_1 = arith.constant 0 : i32
    return %c0_i32, %c0_i32_0 : i32, i32
  }
  func.func @transform_7(%arg0: i32) -> (i32, i32) {
    %c0_i32 = arith.constant 0 : i32
    %c0_i32_0 = arith.constant 0 : i32
    %c0_i32_1 = arith.constant 0 : i32
    return %c0_i32, %c0_i32_0 : i32, i32
  }
  func.func @transform_8(%arg0: i32) -> (i32, i32) {
    %c0_i32 = arith.constant 0 : i32
    %c0_i32_0 = arith.constant 0 : i32
    %c0_i32_1 = arith.constant 0 : i32
    return %c0_i32, %c0_i32_0 : i32, i32
  }
  func.func @transform_9(%arg0: i32) -> (i32, i32) {
    %c0_i32 = arith.constant 0 : i32
    %c0_i32_0 = arith.constant 0 : i32
    %c0_i32_1 = arith.constant 0 : i32
    return %c0_i32, %c0_i32_0 : i32, i32
  }
  func.func @transform_10(%arg0: i32) -> (i32, i32) {
    %c0_i32 = arith.constant 0 : i32
    %c0_i32_0 = arith.constant 0 : i32
    %c0_i32_1 = arith.constant 0 : i32
    return %c0_i32, %c0_i32_0 : i32, i32
  }
}

</mosaic_0001>

<sc_bundles>
// kernel: kernel.4.cloned.1.call-start
scs
__scs_entry_jumppad:
0x0: {  	(pc) =	sbr.rel $0x88, $3  }
0x1: {  	(tag) =	ssettag $0x0;
	lr =	simm.s32 $0x1  }
0x2: {  	[smem:$0x3F9F] =	sst lr;
	_ =	strace $0xD0000000  }
0x3: {  	_ = 	snop  }
0x4: {  	_ = 	snop  }
0x5: {  	_ = 	snop  }
0x6: {  	_ = 	snop  }
0x7: {  	_ = 	snop  }
__scs_overlays_trampoline_lowered:
0x8: {  	[smem:$0x3FAE] =	sst s0  }
0x9: {  	[smem:$0x3FAF] =	sst s1  }
0xa: {  	[smem:$0x3FB0] =	sst s2  }
0xb: {  	[smem:$0x3FB1] =	sst s3  }
0xc: {  	[smem:$0x3FB2] =	sst s4  }
0xd: {  	[smem:$0x3FB3] =	sst s5  }
0xe: {  	[smem:$0x3FB4] =	sst s6  }
0xf: {  	[smem:$0x3FB5] =	sst s7  }
0x10: {  	[smem:$0x3FB6] =	sst s8  }
0x11: {  	[smem:$0x3FB7] =	sst s9;
	s0 =	simm.s32 @!p0 $0x0  }
0x12: {  	s1 =	sld [smem:$0x3F9D];
	s0 =	simm.s32 @p0 $0x1  }
0x13: {  	[smem:$0x3FB8] =	sst s0;
	s0 =	simm.s32 @!p1 $0x0  }
0x14: {  	s2 =	sld [smem:$0x3F9C];
	s0 =	simm.s32 @p1 $0x1  }
0x15: {  	[smem:$0x3FB9] =	sst s0;
	s0 =	simm.s32 @!p2 $0x0  }
0x16: {  	s3 =	sld [smem:$0x3FDB];
	s0 =	simm.s32 @p2 $0x1  }
0x17: {  	s4 =	simm.s32 $0x1BF5;
	[smem:$0x3FBB] =	sst s0  }
0x18: {  	s0 =	sld [smem:$0x3F9E];
	_ =	swait.ge [sflag:s4], $0x0  }
0x19: {  	s7 =	sld [smem:$0x3F9F]  }
0x1a: {  	s8 =	sadd.s32 $0xFFFFE003, lr  }
0x1b: {  	s9 =	sadd.s32 $0xFFFFFEF7, lr;
	s5 =	simm.s32 $0xFFFFFFFF;
	p2 =	slt.u32 s8, $0xFFFFF086  }
0x1c: {  	p1 =	slt.u32 s9, $0xF7A;
	s5 =	simm.s32 @!p2 $0x0  }
0x1d: {  	s5 =	simm.s32 @p1 $0x1;
	p0 =	seq.s32 s7, s2  }
0x1e: {  	s7 =	smul.u32 @!p0 $0xF7A, s2;
	p2 =	seq.s32 @!p0 s5, $0x0  }
0x1f: {  	s9 =	smul.u32 $0xF7A, s1;
	s8 =	simm.s32 @!p0 $0x1BF5;
	p2 =	por !p2, p0  }
0x20: {  	[sflag:s8] =	ssyncset.s32 @!p0 $0xFFFFF086;
	s6 =	sadd.s32 @!p0 s3, s7;
	s7 =	simm.s32 @!p0 $0x108  }
0x21: {  	s3 =	sadd.s32 s3, s9;
	s6 =	sadd.s32 @!p0 $0x88, s6;
	s7 =	simm.s32 @p2 $0x1082  }
0x22: {  	[simem:s7], [sflag:s8] =	dma.local @!p0 [hbm:s6], $0xF7A  }
0x23: {  	s9 =	sor.u32 $0xD0000000, s2;
	s6 =	simm.s32 $0x108;
	_ =	swait.ge @!p0 [sflag:s8], $0x0  }
0x24: {  	s3 =	sadd.s32 $0x88, s3;
	s6 =	simm.s32 @!p1 $0x1082;
	[sflag:s4] =	ssyncset.s32 $0xFFFFF086  }
0x25: {  	[simem:s6], [sflag:s4] =	dma.local [hbm:s3], $0xF7A  }
0x26: {  	[smem:$0x3F9F] =	sst s1;
	(tag) =	ssettag s2;
	_ =	strace s9  }
0x27: {  	s1 =	sld [smem:$0x3FAF]  }
0x28: {  	s2 =	sld [smem:$0x3FB0]  }
0x29: {  	s4 =	sld [smem:$0x3FB2]  }
0x2a: {  	p0 =	seq.s32 s5, $0x0;
	s5 =	sld [smem:$0x3FB3]  }
0x2b: {  	s6 =	sld [smem:$0x3FB4]  }
0x2c: {  	s7 =	sld [smem:$0x3FB5]  }
0x2d: {  	s3 =	simm.s32 $0x108;
	s8 =	sld [smem:$0x3FB6]  }
0x2e: {  	s3 =	simm.s32 @!p0 $0x1082;
	s9 =	sld [smem:$0x3FB7]  }
0x2f: {  	lr =	sadd.s32 s0, s3;
	s0 =	sld [smem:$0x3FAE]  }
0x30: {  	s3 =	sld [smem:$0x3FB1]  }
0x31: {  	[smem:$0x3FBA] =	sst s10  }
0x32: {  	s10 =	sld [smem:$0x3FB8];
	_ =	sdelay $0x3  }
0x33: {  	p0 =	seq.s32 s10, $0x1;
	s10 =	sld [smem:$0x3FBA];
	_ =	sdelay $0x3  }
0x34: {  	[smem:$0x3FBA] =	sst s10  }
0x35: {  	s10 =	sld [smem:$0x3FB9];
	_ =	sdelay $0x3  }
0x36: {  	p1 =	seq.s32 s10, $0x1;
	s10 =	sld [smem:$0x3FBA];
	_ =	sdelay $0x3  }
0x37: {  	[smem:$0x3FBA] =	sst s10  }
0x38: {  	s10 =	sld [smem:$0x3FBB]  }
0x39: {  	_ = 	snop;
	(pc) =	sbr.ind lr, $3  }
0x3a: {  	_ = 	snop  }
0x3b: {  	_ = 	snop  }
0x3c: {  	p2 =	seq.s32 s10, $0x1;
	s10 =	sld [smem:$0x3FBA]  }
0x3d: {  	_ =	shalt  }
0x3e: {  	_ =	shalt  }
0x3f: {  	_ =	shalt  }
0x40: {  	_ =	shalt  }
0x41: {  	_ =	shalt  }
0x42: {  	_ =	shalt  }
0x43: {  	_ =	shalt  }
0x44: {  	_ =	shalt  }
0x45: {  	_ =	shalt  }
0x46: {  	_ =	shalt  }
0x47: {  	_ =	shalt  }
0x48: {  	_ =	shalt  }
0x49: {  	_ =	shalt  }
0x4a: {  	_ =	shalt  }
0x4b: {  	_ =	shalt  }
0x4c: {  	_ =	shalt  }
0x4d: {  	_ =	shalt  }
0x4e: {  	_ =	shalt  }
0x4f: {  	_ =	shalt  }
0x50: {  	_ =	shalt  }
0x51: {  	_ =	shalt  }
0x52: {  	_ =	shalt  }
0x53: {  	_ =	shalt  }
0x54: {  	_ =	shalt  }
0x55: {  	_ =	shalt  }
0x56: {  	_ =	shalt  }
0x57: {  	_ =	shalt  }
0x58: {  	_ =	shalt  }
0x59: {  	_ =	shalt  }
0x5a: {  	_ =	shalt  }
0x5b: {  	_ =	shalt  }
0x5c: {  	_ =	shalt  }
0x5d: {  	_ =	shalt  }
0x5e: {  	_ =	shalt  }
0x5f: {  	_ =	shalt  }
0x60: {  	_ =	shalt  }
0x61: {  	_ =	shalt  }
0x62: {  	_ =	shalt  }
0x63: {  	_ =	shalt  }
0x64: {  	_ =	shalt  }
0x65: {  	_ =	shalt  }
0x66: {  	_ =	shalt  }
0x67: {  	_ =	shalt  }
0x68: {  	_ =	shalt  }
0x69: {  	_ =	shalt  }
0x6a: {  	_ =	shalt  }
0x6b: {  	_ =	shalt  }
0x6c: {  	_ =	shalt  }
0x6d: {  	_ =	shalt  }
0x6e: {  	_ =	shalt  }
0x6f: {  	_ =	shalt  }
0x70: {  	_ =	shalt  }
0x71: {  	_ =	shalt  }
0x72: {  	_ =	shalt  }
0x73: {  	_ =	shalt  }
0x74: {  	_ =	shalt  }
0x75: {  	_ =	shalt  }
0x76: {  	_ =	shalt  }
0x77: {  	_ =	shalt  }
0x78: {  	_ =	shalt  }
0x79: {  	_ =	shalt  }
0x7a: {  	_ =	shalt  }
0x7b: {  	_ =	shalt  }
0x7c: {  	_ =	shalt  }
0x7d: {  	_ =	shalt  }
0x7e: {  	_ =	shalt  }
0x7f: {  	_ =	shalt  }
0x80: {  	_ =	shalt  }
0x81: {  	_ =	shalt  }
0x82: {  	_ =	shalt  }
0x83: {  	_ =	shalt  }
0x84: {  	_ =	shalt  }
0x85: {  	_ =	shalt  }
0x86: {  	_ =	shalt  }
0x87: {  	_ =	shalt  }
.Lfunc_end0:
.L_simem_size_0:
called_computation_lowered:
.L_overlay_start_0:
0x88: {  	s2 =	sld [smem:$0x3FD9]  }
0x89: {  	s3 =	sld [smem:$0x3FFE];
	_ =	sdelay $0x1  }
0x8a: {  	s1 =	srdreg.scid  }
0x8b: {  	s0 =	sand.u32 $0x1, s1  }
0x8c: {  	s14 =	sshll.u32 s0, $0xA;
	s2 =	sadd.s32 s3, s2  }
0x8d: {  	s2 =	sadd.s32 s2, s14  }
0x8e: {  	[smem:$0x3FC6] =	sst s2  }
0x8f: {  	_ = 	snop  }
0x90: {  	s2 =	sld [smem:$0x3FD0];
	_ =	sdelay $0x2  }
0x91: {  	s4 =	simm.s32 $0xA;
	s5 =	simm.s32 $0x10;
	s15 =	sld [smem:$0x3FC8]  }
0x92: {  	[smem:s5], [sflag:s4] =	dma.local [hbm:s2], $0x1  }
0x93: {  	_ =	swait.eq [sflag:s4], $0x1  }
0x94: {  	[sflag:s4] =	ssyncset.done $0x0  }
0x95: {  	[sflag:s4] =	ssyncadd.s32 $0xFFFFFFFF  }
0x96: {  	s16 =	sld [smem:$0x10];
	(tm) =	ssettm $0x1  }
0x97: {  	s17 =	sld [smem:$0x3FFB];
	_ =	sdelay $0x3  }
0x98: {  	_ =	strace s17  }
0x99: {  	s4 =	sld [smem:$0x3FFC];
	_ =	sdelay $0x3  }
0x9a: {  	_ =	strace s4  }
0x9b: {  	s4 =	sld [smem:$0x3FFD];
	_ =	sdelay $0x3  }
0x9c: {  	_ =	strace s4  }
0x9d: {  	_ =	strace $0x8FFFFFFF  }
0x9e: {  	s18 =	sld [smem:$0x3FDB];
	_ =	sdelay $0x1  }
0x9f: {  	s19 =	simm.s32 $_scs_section_size  }
0xa0: {  	s6 =	simm.s32 $_size__tile_overlayer_lowered;
	s7 =	simm.s32 $_tile_overlayer_lowered  }
0xa1: {  	s22 =	simm.s32 $0x1BFF;
	s21 =	sshll.u32 s7, $0x1;
	s4 =	sadd.s32 s19, s18  }
0xa2: {  	s8 =	simm.s32 $0x0;
	s20 =	sshll.u32 s6, $0x1;
	s6 =	sadd.s32 s21, s4  }
0xa3: {  	[timem:s8], [sflag:s22] =	dma.local [hbm:s6], s20  }
0xa4: {  	_ =	swait.ge [sflag:s22], s20  }
0xa5: {  	s5 =	ssub.s32 $0x0, s20;
	[sflag:s22] =	ssyncset.done $0x0  }
0xa6: {  	[sflag:s22] =	ssyncadd.s32 s5;
	_ =	sdelay $0x1  }
0xa7: {  	s23 =	simm.s32 $0x1B8B  }
0xa8: {  	_ =	swait.ge [sflag:s23], $0x1  }
0xa9: {  	[sflag:s23] =	ssyncset.done $0x0  }
0xaa: {  	s25 =	simm.s32 $0x1B8E;
	s24 =	sld [smem:$0x3FFE];
	[sflag:s23] =	ssyncadd.s32 $0xFFFFFFFF  }
0xab: {  	s26 =	simm.s32 $execute0_lowered;
	[smem:$0x3FD2] =	sst s25  }
0xac: {  	s6 =	sshll.u32 s26, $0x1;
	_ =	strace $0x80000046;
	[dreg:$0x1] =	wrdreg $0xFFFFFFFF  }
0xad: {  	s28 =	simm.s32 $_size_execute0_lowered;
	s4 =	sadd.s32 s4, s6;
	[dreg:$0x0] =	wrdreg $0x0  }
0xae: {  	s6 =	sshll.u32 s28, $0x1;
	[dreg:$0x2] =	wrdreg s4  }
0xaf: {  	[dreg:$0x3] =	wrdreg s6  }
0xb0: {  	[dreg:$0x4] =	wrdreg $0xC0  }
0xb1: {  	_ =	task [dreg:s8], $0x5FFFF  }
0xb2: {  	[dreg:$0x1] =	wrdreg $0xFFFFFFFF  }
0xb3: {  	[dreg:$0x0] =	wrdreg $0x60  }
0xb4: {  	[dreg:$0x2] =	wrdreg s15  }
0xb5: {  	[dreg:$0x3] =	wrdreg s24  }
0xb6: {  	[dreg:$0x4] =	wrdreg s16  }
0xb7: {  	[dreg:$0x5] =	wrdreg $0x9  }
0xb8: {  	_ =	task.clear_ibuf [dreg:s8], $0x6FFFF;
	_ =	strace $0x90000046  }
0xb9: {  	s29 =	simm.s32 $0x9;
	_ =	strace $0x80000048  }
0xba: {  	_ =	swait.ge [sflag:s29], $0x1  }
0xbb: {  	[sflag:s29] =	ssyncadd.s32 $0xFFFFFFFF  }
0xbc: {  	_ =	strace $0x90000048  }
0xbd: {  	_ =	sfence  }
0xbe: {  	s30 =	sld [smem:$0x0];
	_ =	sdelay $0x2  }
0xbf: {  	s31 =	sshll.u32 s1, $0xD;
	s1 =	sshrl.u32 s1, $0x2  }
0xc0: {  	s3 =	sand.u32 $0x4000, s31;
	s1 =	sadd.s32 s1, s30  }
0xc1: {  	s0 =	sor.u32 s3, s0;
	s1 =	sshll.u32 s1, $0x11  }
0xc2: {  	s0 =	sor.u32 s1, s0  }
0xc3: {  	s0 =	sadd.s32 $0x8F2B, s0  }
0xc4: {  	[sflag:s0] =	ssyncadd.remote.s32 $0x1  }
0xc5: {  	_ =	sfence.sel $0xFFFF  }
0xc6: {  	[dreg:$0x0] =	wrdreg $0xFFFFFFFF;
	(pc) =	sbr.abs _section_cstart, $3  }
0xc7: {  	[dreg:$0x1] =	wrdreg $0xFFFFFFFF  }
0xc8: {  	_ =	task.clear_ibuf [dreg:s8], $0x2FFFF;
	_ =	strace $0x9FFFFFFF  }
0xc9: {  	(tm) =	ssettm $0x7FFFFFFF  }
tec
execute0_lowered:
.L_overlay_start_1:
0x0: {  	(tag) =	ssettag $0x1  }
0x1: {  	s1 =	rddreg [dreg:$0x0]  }
0x2: {  	s4 =	rddreg [dreg:$0x1]  }
0x3: {  	s11 =	rddreg [dreg:$0x2]  }
0x4: {  	s0 =	rddreg [dreg:$0x3]  }
0x5: {  	s3 =	simm.s32 $0x0;
	s5 =	srdreg.scid;
	s2 =	stileid.u32  }
0x6: {  	s15 =	simm.s32 $0x880;
	s16 =	simm.s32 $0x1080;
	s17 =	simm.s32 $0x1880  }
0x7: {  	s18 =	simm.s32 $0x2080;
	s19 =	simm.s32 $0x2880;
	s20 =	simm.s32 $0x3080  }
0x8: {  	s28 =	simm.s32 $0x6880;
	s29 =	simm.s32 $0x7080;
	s30 =	simm.s32 $0x7880  }
0x9: {  	s31 =	simm.s32 $0x1;
	[smem:$0x7FF] =	sst s3;
	s5 =	sand.u32 $0x1, s5  }
0xa: {  	s7 =	sshll.u32 s2, $0xA;
	s6 =	ssub.s32 $0x2, s5;
	s5 =	sshll.u32 s5, $0x9  }
0xb: {  	s10 =	sadd.s32 $0x400, s4;
	s21 =	sshrl.u32 s6, $0x1;
	s9 =	sor.u32 s5, s7  }
0xc: {  	_ =	strace $0x80000047;
	s12 =	ssub.s32 s6, s21;
	s22 =	sshrl.u32 s9, $0x3  }
0xd: {  	s5 =	sshll.u32 s9, $0x5;
	s23 =	sor.u32 $0x80, s9;
	s13 =	sor.u32 $0x100, s9  }
0xe: {  	s14 =	sor.u32 $0x180, s9;
	s21 =	simm.s32 $0x3880;
	s4 =	sadd.s32 s10, s22  }
0xf: {  	s5 =	sadd.s32 s11, s5;
	s24 =	sshrl.u32 s23, $0x3;
	s8 =	sshll.u32 s23, $0x5  }
0x10: {  	s25 =	sshrl.u32 s13, $0x3;
	s13 =	sshll.u32 s13, $0x5;
	s26 =	sshrl.u32 s14, $0x3  }
0x11: {  	s14 =	sshll.u32 s14, $0x5;
	s12 =	smax.u32 s12, $0x1;
	s22 =	simm.s32 $0x4080  }
0x12: {  	s23 =	simm.s32 $0x4880;
	s6 =	sadd.s32 s10, s24;
	s7 =	sadd.s32 s11, s8  }
0x13: {  	v2 =	vlaneseq.u32;
	s8 =	sadd.s32 s10, s25;
	s9 =	sadd.s32 s11, s13;
	s10 =	sadd.s32 s10, s26  }
0x14: {  	vm0 =	vmmov $0xffff;
	v1 =	vshrl.u32 v2, $0x3;
	s11 =	sadd.s32 s11, s14;
	s13 =	simm.s32 $0x2;
	s14 =	simm.s32 $0x80  }
0x15: {  	v0 =	vand.u32 $0x7, v2;
	v2 =	vor.u32 $0x8, v2;
	v1 =	vmul.u32 $0x8, v1;
	s24 =	simm.s32 $0x5080;
	s25 =	simm.s32 $0x5880;
	s26 =	simm.s32 $0x6080  }
.LBB2_1:
0x16: {  	[tilespmem:s3], [sflag:$0x2] =	stream.linear.gather [hbm4b:s4+s3], $0x80, $0x38;
	[tilespmem:$0x8080] =	vst v63  }
0x17: {  	_ =	swait.ge [sflag:s13], $0x80  }
0x18: {  	[sflag:s13] =	ssyncset.done $0x0  }
0x19: {  	[sflag:s13] =	ssyncadd.s32 $0xFFFFFF80  }
0x1a: {  	v3 =	vld [tilespmem:$0x0];
	_ =	sdelay $0x4  }
0x1b: {  	v4 =	vshll.u32 v3, $0x1  }
0x1c: {  	v3 =	vand.u32 $0x7, v3;
	v4 =	vand.u32 $0xFFFFFFF0, v4  }
0x1d: {  	v3 =	vor.u32 v3, v4  }
0x1e: {  	v4 =	vperm.xlane v3, v0;
	_ =	sdelay $0x1  }
0x1f: {  	v3 =	vperm.xlane v3, v2;
	v4 =	vadd.s32 v1, v4;
	_ =	sdelay $0x1  }
0x20: {  	v3 =	vadd.s32 v1, v3;
	_ =	sdelay $0x2  }
0x21: {  	[tilespmem:s14], [sflag:$0x1] =	stream.indirect_vreg.gather [hbm4b:s1+s3], $0x80, v4, vm0, $0xb8;
	[tilespmem:$0x8080] =	vst v63  }
0x22: {  	_ = 	snop  }
0x23: {  	[tilespmem:s15], [sflag:$0x1] =	stream.indirect_vreg.gather [hbm4b:s1+s3], $0x80, v3, vm0, $0xb8;
	[tilespmem:$0x8080] =	vst v63  }
0x24: {  	v3 =	vld [tilespmem:$0x10];
	_ =	sdelay $0x4  }
0x25: {  	v33 =	vshll.u32 v3, $0x1  }
0x26: {  	v3 =	vand.u32 $0x7, v3;
	v4 =	vand.u32 $0xFFFFFFF0, v33  }
0x27: {  	v3 =	vor.u32 v3, v4  }
0x28: {  	v4 =	vperm.xlane v3, v0;
	_ =	sdelay $0x1  }
0x29: {  	v3 =	vperm.xlane v3, v2;
	v4 =	vadd.s32 v1, v4;
	_ =	sdelay $0x1  }
0x2a: {  	v3 =	vadd.s32 v1, v3;
	_ =	sdelay $0x2  }
0x2b: {  	[tilespmem:s16], [sflag:$0x1] =	stream.indirect_vreg.gather [hbm4b:s1+s3], $0x80, v4, vm0, $0xb8;
	[tilespmem:$0x8080] =	vst v63  }
0x2c: {  	_ = 	snop  }
0x2d: {  	[tilespmem:s17], [sflag:$0x1] =	stream.indirect_vreg.gather [hbm4b:s1+s3], $0x80, v3, vm0, $0xb8;
	[tilespmem:$0x8080] =	vst v63  }
0x2e: {  	v3 =	vld [tilespmem:$0x20];
	_ =	sdelay $0x4  }
0x2f: {  	v34 =	vshll.u32 v3, $0x1  }
0x30: {  	v3 =	vand.u32 $0x7, v3;
	v4 =	vand.u32 $0xFFFFFFF0, v34  }
0x31: {  	v3 =	vor.u32 v3, v4  }
0x32: {  	v4 =	vperm.xlane v3, v0;
	_ =	sdelay $0x1  }
0x33: {  	v3 =	vperm.xlane v3, v2;
	v4 =	vadd.s32 v1, v4;
	_ =	sdelay $0x1  }
0x34: {  	v3 =	vadd.s32 v1, v3;
	_ =	sdelay $0x2  }
0x35: {  	[tilespmem:s18], [sflag:$0x1] =	stream.indirect_vreg.gather [hbm4b:s1+s3], $0x80, v4, vm0, $0xb8;
	[tilespmem:$0x8080] =	vst v63  }
0x36: {  	_ = 	snop  }
0x37: {  	[tilespmem:s19], [sflag:$0x1] =	stream.indirect_vreg.gather [hbm4b:s1+s3], $0x80, v3, vm0, $0xb8;
	[tilespmem:$0x8080] =	vst v63  }
0x38: {  	v3 =	vld [tilespmem:$0x30];
	_ =	sdelay $0x4  }
0x39: {  	v35 =	vshll.u32 v3, $0x1  }
0x3a: {  	v3 =	vand.u32 $0x7, v3;
	v4 =	vand.u32 $0xFFFFFFF0, v35  }
0x3b: {  	v3 =	vor.u32 v3, v4  }
0x3c: {  	v4 =	vperm.xlane v3, v0;
	_ =	sdelay $0x1  }
0x3d: {  	v3 =	vperm.xlane v3, v2;
	v4 =	vadd.s32 v1, v4;
	_ =	sdelay $0x1  }
0x3e: {  	v3 =	vadd.s32 v1, v3;
	_ =	sdelay $0x2  }
0x3f: {  	[tilespmem:s20], [sflag:$0x1] =	stream.indirect_vreg.gather [hbm4b:s1+s3], $0x80, v4, vm0, $0xb8;
	[tilespmem:$0x8080] =	vst v63  }
0x40: {  	_ = 	snop  }
0x41: {  	[tilespmem:s21], [sflag:$0x1] =	stream.indirect_vreg.gather [hbm4b:s1+s3], $0x80, v3, vm0, $0xb8;
	[tilespmem:$0x8080] =	vst v63  }
0x42: {  	v3 =	vld [tilespmem:$0x40];
	_ =	sdelay $0x4  }
0x43: {  	v36 =	vshll.u32 v3, $0x1  }
0x44: {  	v3 =	vand.u32 $0x7, v3;
	v4 =	vand.u32 $0xFFFFFFF0, v36  }
0x45: {  	v3 =	vor.u32 v3, v4  }
0x46: {  	v4 =	vperm.xlane v3, v0;
	_ =	sdelay $0x1  }
0x47: {  	v3 =	vperm.xlane v3, v2;
	v4 =	vadd.s32 v1, v4;
	_ =	sdelay $0x1  }
0x48: {  	v3 =	vadd.s32 v1, v3;
	_ =	sdelay $0x2  }
0x49: {  	[tilespmem:s22], [sflag:$0x1] =	stream.indirect_vreg.gather [hbm4b:s1+s3], $0x80, v4, vm0, $0xb8;
	[tilespmem:$0x8080] =	vst v63  }
0x4a: {  	_ = 	snop  }
0x4b: {  	[tilespmem:s23], [sflag:$0x1] =	stream.indirect_vreg.gather [hbm4b:s1+s3], $0x80, v3, vm0, $0xb8;
	[tilespmem:$0x8080] =	vst v63  }
0x4c: {  	v3 =	vld [tilespmem:$0x50];
	_ =	sdelay $0x4  }
0x4d: {  	v37 =	vshll.u32 v3, $0x1  }
0x4e: {  	v3 =	vand.u32 $0x7, v3;
	v4 =	vand.u32 $0xFFFFFFF0, v37  }
0x4f: {  	v3 =	vor.u32 v3, v4  }
0x50: {  	v4 =	vperm.xlane v3, v0;
	_ =	sdelay $0x1  }
0x51: {  	v3 =	vperm.xlane v3, v2;
	v4 =	vadd.s32 v1, v4;
	_ =	sdelay $0x1  }
0x52: {  	v3 =	vadd.s32 v1, v3;
	_ =	sdelay $0x2  }
0x53: {  	[tilespmem:s24], [sflag:$0x1] =	stream.indirect_vreg.gather [hbm4b:s1+s3], $0x80, v4, vm0, $0xb8;
	[tilespmem:$0x8080] =	vst v63  }
0x54: {  	_ = 	snop  }
0x55: {  	[tilespmem:s25], [sflag:$0x1] =	stream.indirect_vreg.gather [hbm4b:s1+s3], $0x80, v3, vm0, $0xb8;
	[tilespmem:$0x8080] =	vst v63  }
0x56: {  	v3 =	vld [tilespmem:$0x60];
	_ =	sdelay $0x4  }
0x57: {  	v38 =	vshll.u32 v3, $0x1  }
0x58: {  	v3 =	vand.u32 $0x7, v3;
	v4 =	vand.u32 $0xFFFFFFF0, v38  }
0x59: {  	v3 =	vor.u32 v3, v4  }
0x5a: {  	v4 =	vperm.xlane v3, v0;
	_ =	sdelay $0x1  }
0x5b: {  	v3 =	vperm.xlane v3, v2;
	v4 =	vadd.s32 v1, v4;
	_ =	sdelay $0x1  }
0x5c: {  	v3 =	vadd.s32 v1, v3;
	_ =	sdelay $0x2  }
0x5d: {  	[tilespmem:s26], [sflag:$0x1] =	stream.indirect_vreg.gather [hbm4b:s1+s3], $0x80, v4, vm0, $0xb8;
	[tilespmem:$0x8080] =	vst v63  }
0x5e: {  	_ = 	snop  }
0x5f: {  	[tilespmem:s28], [sflag:$0x1] =	stream.indirect_vreg.gather [hbm4b:s1+s3], $0x80, v3, vm0, $0xb8;
	[tilespmem:$0x8080] =	vst v63  }
0x60: {  	v3 =	vld [tilespmem:$0x70];
	_ =	sdelay $0x4  }
0x61: {  	v39 =	vshll.u32 v3, $0x1  }
0x62: {  	v3 =	vand.u32 $0x7, v3;
	v4 =	vand.u32 $0xFFFFFFF0, v39  }
0x63: {  	v3 =	vor.u32 v3, v4  }
0x64: {  	v4 =	vperm.xlane v3, v0;
	_ =	sdelay $0x1  }
0x65: {  	v3 =	vperm.xlane v3, v2;
	v4 =	vadd.s32 v1, v4;
	_ =	sdelay $0x1  }
0x66: {  	v3 =	vadd.s32 v1, v3;
	_ =	sdelay $0x2  }
0x67: {  	[tilespmem:s29], [sflag:$0x1] =	stream.indirect_vreg.gather [hbm4b:s1+s3], $0x80, v4, vm0, $0xb8;
	[tilespmem:$0x8080] =	vst v63  }
0x68: {  	_ = 	snop  }
0x69: {  	[tilespmem:s30], [sflag:$0x1] =	stream.indirect_vreg.gather [hbm4b:s1+s3], $0x80, v3, vm0, $0xb8;
	[tilespmem:$0x8080] =	vst v63  }
0x6a: {  	_ =	swait.ge [sflag:s31], $0x8000  }
0x6b: {  	[sflag:s31] =	ssyncset.done $0x0  }
0x6c: {  	[sflag:s31] =	ssyncadd.s32 $0xFFFF8000  }
0x6d: {  	[hbm4b:s5+s3] =	stream.linear.scatter [tilespmem:s14], [sflag:$0x2], $0x8000, $0x38;
	[tilespmem:$0x8080] =	vst v63  }
0x6e: {  	_ =	swait.ge [sflag:s13], $0x8000  }
0x6f: {  	[sflag:s13] =	ssyncset.done $0x0  }
0x70: {  	[sflag:s13] =	ssyncadd.s32 $0xFFFF8000  }
0x71: {  	[tilespmem:s3], [sflag:$0x2] =	stream.linear.gather [hbm4b:s6+s3], $0x80, $0x38;
	[tilespmem:$0x8080] =	vst v63  }
0x72: {  	_ =	swait.ge [sflag:s13], $0x80  }
0x73: {  	[sflag:s13] =	ssyncset.done $0x0  }
0x74: {  	[sflag:s13] =	ssyncadd.s32 $0xFFFFFF80  }
0x75: {  	v3 =	vld [tilespmem:$0x0];
	_ =	sdelay $0x4  }
0x76: {  	v40 =	vshll.u32 v3, $0x1  }
0x77: {  	v3 =	vand.u32 $0x7, v3;
	v4 =	vand.u32 $0xFFFFFFF0, v40  }
0x78: {  	v3 =	vor.u32 v3, v4  }
0x79: {  	v4 =	vperm.xlane v3, v0;
	_ =	sdelay $0x1  }
0x7a: {  	v3 =	vperm.xlane v3, v2;
	v4 =	vadd.s32 v1, v4;
	_ =	sdelay $0x1  }
0x7b: {  	v3 =	vadd.s32 v1, v3;
	_ =	sdelay $0x2  }
0x7c: {  	[tilespmem:s14], [sflag:$0x1] =	stream.indirect_vreg.gather [hbm4b:s1+s3], $0x80, v4, vm0, $0xb8;
	[tilespmem:$0x8080] =	vst v63  }
0x7d: {  	_ = 	snop  }
0x7e: {  	[tilespmem:s15], [sflag:$0x1] =	stream.indirect_vreg.gather [hbm4b:s1+s3], $0x80, v3, vm0, $0xb8;
	[tilespmem:$0x8080] =	vst v63  }
0x7f: {  	v3 =	vld [tilespmem:$0x10];
	_ =	sdelay $0x4  }
0x80: {  	v41 =	vshll.u32 v3, $0x1  }
0x81: {  	v3 =	vand.u32 $0x7, v3;
	v4 =	vand.u32 $0xFFFFFFF0, v41  }
0x82: {  	v3 =	vor.u32 v3, v4  }
0x83: {  	v4 =	vperm.xlane v3, v0;
	_ =	sdelay $0x1  }
0x84: {  	v3 =	vperm.xlane v3, v2;
	v4 =	vadd.s32 v1, v4;
	_ =	sdelay $0x1  }
0x85: {  	v3 =	vadd.s32 v1, v3;
	_ =	sdelay $0x2  }
0x86: {  	[tilespmem:s16], [sflag:$0x1] =	stream.indirect_vreg.gather [hbm4b:s1+s3], $0x80, v4, vm0, $0xb8;
	[tilespmem:$0x8080] =	vst v63  }
0x87: {  	_ = 	snop  }
0x88: {  	[tilespmem:s17], [sflag:$0x1] =	stream.indirect_vreg.gather [hbm4b:s1+s3], $0x80, v3, vm0, $0xb8;
	[tilespmem:$0x8080] =	vst v63  }
0x89: {  	v3 =	vld [tilespmem:$0x20];
	_ =	sdelay $0x4  }
0x8a: {  	v42 =	vshll.u32 v3, $0x1  }
0x8b: {  	v3 =	vand.u32 $0x7, v3;
	v4 =	vand.u32 $0xFFFFFFF0, v42  }
0x8c: {  	v3 =	vor.u32 v3, v4  }
0x8d: {  	v4 =	vperm.xlane v3, v0;
	_ =	sdelay $0x1  }
0x8e: {  	v3 =	vperm.xlane v3, v2;
	v4 =	vadd.s32 v1, v4;
	_ =	sdelay $0x1  }
0x8f: {  	v3 =	vadd.s32 v1, v3;
	_ =	sdelay $0x2  }
0x90: {  	[tilespmem:s18], [sflag:$0x1] =	stream.indirect_vreg.gather [hbm4b:s1+s3], $0x80, v4, vm0, $0xb8;
	[tilespmem:$0x8080] =	vst v63  }
0x91: {  	_ = 	snop  }
0x92: {  	[tilespmem:s19], [sflag:$0x1] =	stream.indirect_vreg.gather [hbm4b:s1+s3], $0x80, v3, vm0, $0xb8;
	[tilespmem:$0x8080] =	vst v63  }
0x93: {  	v3 =	vld [tilespmem:$0x30];
	_ =	sdelay $0x4  }
0x94: {  	v43 =	vshll.u32 v3, $0x1  }
0x95: {  	v3 =	vand.u32 $0x7, v3;
	v4 =	vand.u32 $0xFFFFFFF0, v43  }
0x96: {  	v3 =	vor.u32 v3, v4  }
0x97: {  	v4 =	vperm.xlane v3, v0;
	_ =	sdelay $0x1  }
0x98: {  	v3 =	vperm.xlane v3, v2;
	v4 =	vadd.s32 v1, v4;
	_ =	sdelay $0x1  }
0x99: {  	v3 =	vadd.s32 v1, v3;
	_ =	sdelay $0x2  }
0x9a: {  	[tilespmem:s20], [sflag:$0x1] =	stream.indirect_vreg.gather [hbm4b:s1+s3], $0x80, v4, vm0, $0xb8;
	[tilespmem:$0x8080] =	vst v63  }
0x9b: {  	_ = 	snop  }
0x9c: {  	[tilespmem:s21], [sflag:$0x1] =	stream.indirect_vreg.gather [hbm4b:s1+s3], $0x80, v3, vm0, $0xb8;
	[tilespmem:$0x8080] =	vst v63  }
0x9d: {  	v3 =	vld [tilespmem:$0x40];
	_ =	sdelay $0x4  }
0x9e: {  	v44 =	vshll.u32 v3, $0x1  }
0x9f: {  	v3 =	vand.u32 $0x7, v3;
	v4 =	vand.u32 $0xFFFFFFF0, v44  }
0xa0: {  	v3 =	vor.u32 v3, v4  }
0xa1: {  	v4 =	vperm.xlane v3, v0;
	_ =	sdelay $0x1  }
0xa2: {  	v3 =	vperm.xlane v3, v2;
	v4 =	vadd.s32 v1, v4;
	_ =	sdelay $0x1  }
0xa3: {  	v3 =	vadd.s32 v1, v3;
	_ =	sdelay $0x2  }
0xa4: {  	[tilespmem:s22], [sflag:$0x1] =	stream.indirect_vreg.gather [hbm4b:s1+s3], $0x80, v4, vm0, $0xb8;
	[tilespmem:$0x8080] =	vst v63  }
0xa5: {  	_ = 	snop  }
0xa6: {  	[tilespmem:s23], [sflag:$0x1] =	stream.indirect_vreg.gather [hbm4b:s1+s3], $0x80, v3, vm0, $0xb8;
	[tilespmem:$0x8080] =	vst v63  }
0xa7: {  	v3 =	vld [tilespmem:$0x50];
	_ =	sdelay $0x4  }
0xa8: {  	v45 =	vshll.u32 v3, $0x1  }
0xa9: {  	v3 =	vand.u32 $0x7, v3;
	v4 =	vand.u32 $0xFFFFFFF0, v45  }
0xaa: {  	v3 =	vor.u32 v3, v4  }
0xab: {  	v4 =	vperm.xlane v3, v0;
	_ =	sdelay $0x1  }
0xac: {  	v3 =	vperm.xlane v3, v2;
	v4 =	vadd.s32 v1, v4;
	_ =	sdelay $0x1  }
0xad: {  	v3 =	vadd.s32 v1, v3;
	_ =	sdelay $0x2  }
0xae: {  	[tilespmem:s24], [sflag:$0x1] =	stream.indirect_vreg.gather [hbm4b:s1+s3], $0x80, v4, vm0, $0xb8;
	[tilespmem:$0x8080] =	vst v63  }
0xaf: {  	_ = 	snop  }
0xb0: {  	[tilespmem:s25], [sflag:$0x1] =	stream.indirect_vreg.gather [hbm4b:s1+s3], $0x80, v3, vm0, $0xb8;
	[tilespmem:$0x8080] =	vst v63  }
0xb1: {  	v3 =	vld [tilespmem:$0x60];
	_ =	sdelay $0x4  }
0xb2: {  	v46 =	vshll.u32 v3, $0x1  }
0xb3: {  	v3 =	vand.u32 $0x7, v3;
	v4 =	vand.u32 $0xFFFFFFF0, v46  }
0xb4: {  	v3 =	vor.u32 v3, v4  }
0xb5: {  	v4 =	vperm.xlane v3, v0;
	_ =	sdelay $0x1  }
0xb6: {  	v3 =	vperm.xlane v3, v2;
	v4 =	vadd.s32 v1, v4;
	_ =	sdelay $0x1  }
0xb7: {  	v3 =	vadd.s32 v1, v3;
	_ =	sdelay $0x2  }
0xb8: {  	[tilespmem:s26], [sflag:$0x1] =	stream.indirect_vreg.gather [hbm4b:s1+s3], $0x80, v4, vm0, $0xb8;
	[tilespmem:$0x8080] =	vst v63  }
0xb9: {  	_ = 	snop  }
0xba: {  	[tilespmem:s28], [sflag:$0x1] =	stream.indirect_vreg.gather [hbm4b:s1+s3], $0x80, v3, vm0, $0xb8;
	[tilespmem:$0x8080] =	vst v63  }
0xbb: {  	v3 =	vld [tilespmem:$0x70];
	_ =	sdelay $0x4  }
0xbc: {  	v47 =	vshll.u32 v3, $0x1  }
0xbd: {  	v3 =	vand.u32 $0x7, v3;
	v4 =	vand.u32 $0xFFFFFFF0, v47  }
0xbe: {  	v3 =	vor.u32 v3, v4  }
0xbf: {  	v4 =	vperm.xlane v3, v0;
	_ =	sdelay $0x1  }
0xc0: {  	v3 =	vperm.xlane v3, v2;
	v4 =	vadd.s32 v1, v4;
	_ =	sdelay $0x1  }
0xc1: {  	v3 =	vadd.s32 v1, v3;
	_ =	sdelay $0x2  }
0xc2: {  	[tilespmem:s29], [sflag:$0x1] =	stream.indirect_vreg.gather [hbm4b:s1+s3], $0x80, v4, vm0, $0xb8;
	[tilespmem:$0x8080] =	vst v63  }
0xc3: {  	_ = 	snop  }
0xc4: {  	[tilespmem:s30], [sflag:$0x1] =	stream.indirect_vreg.gather [hbm4b:s1+s3], $0x80, v3, vm0, $0xb8;
	[tilespmem:$0x8080] =	vst v63  }
0xc5: {  	_ =	swait.ge [sflag:s31], $0x8000  }
0xc6: {  	[sflag:s31] =	ssyncset.done $0x0  }
0xc7: {  	[sflag:s31] =	ssyncadd.s32 $0xFFFF8000  }
0xc8: {  	[hbm4b:s7+s3] =	stream.linear.scatter [tilespmem:s14], [sflag:$0x2], $0x8000, $0x38;
	[tilespmem:$0x8080] =	vst v63  }
0xc9: {  	_ =	swait.ge [sflag:s13], $0x8000  }
0xca: {  	[sflag:s13] =	ssyncset.done $0x0  }
0xcb: {  	[sflag:s13] =	ssyncadd.s32 $0xFFFF8000  }
0xcc: {  	[tilespmem:s3], [sflag:$0x2] =	stream.linear.gather [hbm4b:s8+s3], $0x80, $0x38;
	[tilespmem:$0x8080] =	vst v63  }
0xcd: {  	_ =	swait.ge [sflag:s13], $0x80  }
0xce: {  	[sflag:s13] =	ssyncset.done $0x0  }
0xcf: {  	[sflag:s13] =	ssyncadd.s32 $0xFFFFFF80  }
0xd0: {  	v3 =	vld [tilespmem:$0x0];
	_ =	sdelay $0x4  }
0xd1: {  	v48 =	vshll.u32 v3, $0x1  }
0xd2: {  	v3 =	vand.u32 $0x7, v3;
	v4 =	vand.u32 $0xFFFFFFF0, v48  }
0xd3: {  	v3 =	vor.u32 v3, v4  }
0xd4: {  	v4 =	vperm.xlane v3, v0;
	_ =	sdelay $0x1  }
0xd5: {  	v3 =	vperm.xlane v3, v2;
	v4 =	vadd.s32 v1, v4;
	_ =	sdelay $0x1  }
0xd6: {  	v3 =	vadd.s32 v1, v3;
	_ =	sdelay $0x2  }
0xd7: {  	[tilespmem:s14], [sflag:$0x1] =	stream.indirect_vreg.gather [hbm4b:s1+s3], $0x80, v4, vm0, $0xb8;
	[tilespmem:$0x8080] =	vst v63  }
0xd8: {  	_ = 	snop  }
0xd9: {  	[tilespmem:s15], [sflag:$0x1] =	stream.indirect_vreg.gather [hbm4b:s1+s3], $0x80, v3, vm0, $0xb8;
	[tilespmem:$0x8080] =	vst v63  }
0xda: {  	v3 =	vld [tilespmem:$0x10];
	_ =	sdelay $0x4  }
0xdb: {  	v49 =	vshll.u32 v3, $0x1  }
0xdc: {  	v3 =	vand.u32 $0x7, v3;
	v4 =	vand.u32 $0xFFFFFFF0, v49  }
0xdd: {  	v3 =	vor.u32 v3, v4  }
0xde: {  	v4 =	vperm.xlane v3, v0;
	_ =	sdelay $0x1  }
0xdf: {  	v3 =	vperm.xlane v3, v2;
	v4 =	vadd.s32 v1, v4;
	_ =	sdelay $0x1  }
0xe0: {  	v3 =	vadd.s32 v1, v3;
	_ =	sdelay $0x2  }
0xe1: {  	[tilespmem:s16], [sflag:$0x1] =	stream.indirect_vreg.gather [hbm4b:s1+s3], $0x80, v4, vm0, $0xb8;
	[tilespmem:$0x8080] =	vst v63  }
0xe2: {  	_ = 	snop  }
0xe3: {  	[tilespmem:s17], [sflag:$0x1] =	stream.indirect_vreg.gather [hbm4b:s1+s3], $0x80, v3, vm0, $0xb8;
	[tilespmem:$0x8080] =	vst v63  }
0xe4: {  	v3 =	vld [tilespmem:$0x20];
	_ =	sdelay $0x4  }
0xe5: {  	v50 =	vshll.u32 v3, $0x1  }
0xe6: {  	v3 =	vand.u32 $0x7, v3;
	v4 =	vand.u32 $0xFFFFFFF0, v50  }
0xe7: {  	v3 =	vor.u32 v3, v4  }
0xe8: {  	v4 =	vperm.xlane v3, v0;
	_ =	sdelay $0x1  }
0xe9: {  	v3 =	vperm.xlane v3, v2;
	v4 =	vadd.s32 v1, v4;
	_ =	sdelay $0x1  }
0xea: {  	v3 =	vadd.s32 v1, v3;
	_ =	sdelay $0x2  }
0xeb: {  	[tilespmem:s18], [sflag:$0x1] =	stream.indirect_vreg.gather [hbm4b:s1+s3], $0x80, v4, vm0, $0xb8;
	[tilespmem:$0x8080] =	vst v63  }
0xec: {  	_ = 	snop  }
0xed: {  	[tilespmem:s19], [sflag:$0x1] =	stream.indirect_vreg.gather [hbm4b:s1+s3], $0x80, v3, vm0, $0xb8;
	[tilespmem:$0x8080] =	vst v63  }
0xee: {  	v3 =	vld [tilespmem:$0x30];
	_ =	sdelay $0x4  }
0xef: {  	v51 =	vshll.u32 v3, $0x1  }
0xf0: {  	v3 =	vand.u32 $0x7, v3;
	v4 =	vand.u32 $0xFFFFFFF0, v51  }
0xf1: {  	v3 =	vor.u32 v3, v4  }
0xf2: {  	v4 =	vperm.xlane v3, v0;
	_ =	sdelay $0x1  }
0xf3: {  	v3 =	vperm.xlane v3, v2;
	v4 =	vadd.s32 v1, v4;
	_ =	sdelay $0x1  }
0xf4: {  	v3 =	vadd.s32 v1, v3;
	_ =	sdelay $0x2  }
0xf5: {  	[tilespmem:s20], [sflag:$0x1] =	stream.indirect_vreg.gather [hbm4b:s1+s3], $0x80, v4, vm0, $0xb8;
	[tilespmem:$0x8080] =	vst v63  }
0xf6: {  	_ = 	snop  }
0xf7: {  	[tilespmem:s21], [sflag:$0x1] =	stream.indirect_vreg.gather [hbm4b:s1+s3], $0x80, v3, vm0, $0xb8;
	[tilespmem:$0x8080] =	vst v63  }
0xf8: {  	v3 =	vld [tilespmem:$0x40];
	_ =	sdelay $0x4  }
0xf9: {  	v52 =	vshll.u32 v3, $0x1  }
0xfa: {  	v3 =	vand.u32 $0x7, v3;
	v4 =	vand.u32 $0xFFFFFFF0, v52  }
0xfb: {  	v3 =	vor.u32 v3, v4  }
0xfc: {  	v4 =	vperm.xlane v3, v0;
	_ =	sdelay $0x1  }
0xfd: {  	v3 =	vperm.xlane v3, v2;
	v4 =	vadd.s32 v1, v4;
	_ =	sdelay $0x1  }
0xfe: {  	v3 =	vadd.s32 v1, v3;
	_ =	sdelay $0x2  }
0xff: {  	[tilespmem:s22], [sflag:$0x1] =	stream.indirect_vreg.gather [hbm4b:s1+s3], $0x80, v4, vm0, $0xb8;
	[tilespmem:$0x8080] =	vst v63  }
0x100: {  	_ = 	snop  }
0x101: {  	[tilespmem:s23], [sflag:$0x1] =	stream.indirect_vreg.gather [hbm4b:s1+s3], $0x80, v3, vm0, $0xb8;
	[tilespmem:$0x8080] =	vst v63  }
0x102: {  	v3 =	vld [tilespmem:$0x50];
	_ =	sdelay $0x4  }
0x103: {  	v53 =	vshll.u32 v3, $0x1  }
0x104: {  	v3 =	vand.u32 $0x7, v3;
	v4 =	vand.u32 $0xFFFFFFF0, v53  }
0x105: {  	v3 =	vor.u32 v3, v4  }
0x106: {  	v4 =	vperm.xlane v3, v0;
	_ =	sdelay $0x1  }
0x107: {  	v3 =	vperm.xlane v3, v2;
	v4 =	vadd.s32 v1, v4;
	_ =	sdelay $0x1  }
0x108: {  	v3 =	vadd.s32 v1, v3;
	_ =	sdelay $0x2  }
0x109: {  	[tilespmem:s24], [sflag:$0x1] =	stream.indirect_vreg.gather [hbm4b:s1+s3], $0x80, v4, vm0, $0xb8;
	[tilespmem:$0x8080] =	vst v63  }
0x10a: {  	_ = 	snop  }
0x10b: {  	[tilespmem:s25], [sflag:$0x1] =	stream.indirect_vreg.gather [hbm4b:s1+s3], $0x80, v3, vm0, $0xb8;
	[tilespmem:$0x8080] =	vst v63  }
0x10c: {  	v3 =	vld [tilespmem:$0x60];
	_ =	sdelay $0x4  }
0x10d: {  	v54 =	vshll.u32 v3, $0x1  }
0x10e: {  	v3 =	vand.u32 $0x7, v3;
	v4 =	vand.u32 $0xFFFFFFF0, v54  }
0x10f: {  	v3 =	vor.u32 v3, v4  }
0x110: {  	v4 =	vperm.xlane v3, v0;
	_ =	sdelay $0x1  }
0x111: {  	v3 =	vperm.xlane v3, v2;
	v4 =	vadd.s32 v1, v4;
	_ =	sdelay $0x1  }
0x112: {  	v3 =	vadd.s32 v1, v3;
	_ =	sdelay $0x2  }
0x113: {  	[tilespmem:s26], [sflag:$0x1] =	stream.indirect_vreg.gather [hbm4b:s1+s3], $0x80, v4, vm0, $0xb8;
	[tilespmem:$0x8080] =	vst v63  }
0x114: {  	_ = 	snop  }
0x115: {  	[tilespmem:s28], [sflag:$0x1] =	stream.indirect_vreg.gather [hbm4b:s1+s3], $0x80, v3, vm0, $0xb8;
	[tilespmem:$0x8080] =	vst v63  }
0x116: {  	v3 =	vld [tilespmem:$0x70];
	_ =	sdelay $0x4  }
0x117: {  	v55 =	vshll.u32 v3, $0x1  }
0x118: {  	v3 =	vand.u32 $0x7, v3;
	v4 =	vand.u32 $0xFFFFFFF0, v55  }
0x119: {  	v3 =	vor.u32 v3, v4  }
0x11a: {  	v4 =	vperm.xlane v3, v0;
	_ =	sdelay $0x1  }
0x11b: {  	v3 =	vperm.xlane v3, v2;
	v4 =	vadd.s32 v1, v4;
	_ =	sdelay $0x1  }
0x11c: {  	v3 =	vadd.s32 v1, v3;
	_ =	sdelay $0x2  }
0x11d: {  	[tilespmem:s29], [sflag:$0x1] =	stream.indirect_vreg.gather [hbm4b:s1+s3], $0x80, v4, vm0, $0xb8;
	[tilespmem:$0x8080] =	vst v63  }
0x11e: {  	_ = 	snop  }
0x11f: {  	[tilespmem:s30], [sflag:$0x1] =	stream.indirect_vreg.gather [hbm4b:s1+s3], $0x80, v3, vm0, $0xb8;
	[tilespmem:$0x8080] =	vst v63  }
0x120: {  	_ =	swait.ge [sflag:s31], $0x8000  }
0x121: {  	[sflag:s31] =	ssyncset.done $0x0  }
0x122: {  	[sflag:s31] =	ssyncadd.s32 $0xFFFF8000  }
0x123: {  	[hbm4b:s9+s3] =	stream.linear.scatter [tilespmem:s14], [sflag:$0x2], $0x8000, $0x38;
	[tilespmem:$0x8080] =	vst v63  }
0x124: {  	_ =	swait.ge [sflag:s13], $0x8000  }
0x125: {  	[sflag:s13] =	ssyncset.done $0x0  }
0x126: {  	[sflag:s13] =	ssyncadd.s32 $0xFFFF8000  }
0x127: {  	[tilespmem:s3], [sflag:$0x2] =	stream.linear.gather [hbm4b:s10+s3], $0x80, $0x38;
	[tilespmem:$0x8080] =	vst v63  }
0x128: {  	_ =	swait.ge [sflag:s13], $0x80  }
0x129: {  	[sflag:s13] =	ssyncset.done $0x0  }
0x12a: {  	[sflag:s13] =	ssyncadd.s32 $0xFFFFFF80  }
0x12b: {  	v3 =	vld [tilespmem:$0x0];
	_ =	sdelay $0x4  }
0x12c: {  	v56 =	vshll.u32 v3, $0x1  }
0x12d: {  	v3 =	vand.u32 $0x7, v3;
	v4 =	vand.u32 $0xFFFFFFF0, v56  }
0x12e: {  	v3 =	vor.u32 v3, v4  }
0x12f: {  	v4 =	vperm.xlane v3, v0;
	_ =	sdelay $0x1  }
0x130: {  	v3 =	vperm.xlane v3, v2;
	v4 =	vadd.s32 v1, v4;
	_ =	sdelay $0x1  }
0x131: {  	v3 =	vadd.s32 v1, v3;
	_ =	sdelay $0x2  }
0x132: {  	[tilespmem:s14], [sflag:$0x1] =	stream.indirect_vreg.gather [hbm4b:s1+s3], $0x80, v4, vm0, $0xb8;
	[tilespmem:$0x8080] =	vst v63  }
0x133: {  	_ = 	snop  }
0x134: {  	[tilespmem:s15], [sflag:$0x1] =	stream.indirect_vreg.gather [hbm4b:s1+s3], $0x80, v3, vm0, $0xb8;
	[tilespmem:$0x8080] =	vst v63  }
0x135: {  	v3 =	vld [tilespmem:$0x10];
	_ =	sdelay $0x4  }
0x136: {  	v57 =	vshll.u32 v3, $0x1  }
0x137: {  	v3 =	vand.u32 $0x7, v3;
	v4 =	vand.u32 $0xFFFFFFF0, v57  }
0x138: {  	v3 =	vor.u32 v3, v4  }
0x139: {  	v4 =	vperm.xlane v3, v0;
	_ =	sdelay $0x1  }
0x13a: {  	v3 =	vperm.xlane v3, v2;
	v4 =	vadd.s32 v1, v4;
	_ =	sdelay $0x1  }
0x13b: {  	v3 =	vadd.s32 v1, v3;
	_ =	sdelay $0x2  }
0x13c: {  	[tilespmem:s16], [sflag:$0x1] =	stream.indirect_vreg.gather [hbm4b:s1+s3], $0x80, v4, vm0, $0xb8;
	[tilespmem:$0x8080] =	vst v63  }
0x13d: {  	_ = 	snop  }
0x13e: {  	[tilespmem:s17], [sflag:$0x1] =	stream.indirect_vreg.gather [hbm4b:s1+s3], $0x80, v3, vm0, $0xb8;
	[tilespmem:$0x8080] =	vst v63  }
0x13f: {  	v3 =	vld [tilespmem:$0x20];
	_ =	sdelay $0x4  }
0x140: {  	v58 =	vshll.u32 v3, $0x1  }
0x141: {  	v3 =	vand.u32 $0x7, v3;
	v4 =	vand.u32 $0xFFFFFFF0, v58  }
0x142: {  	v3 =	vor.u32 v3, v4  }
0x143: {  	v4 =	vperm.xlane v3, v0;
	_ =	sdelay $0x1  }
0x144: {  	v3 =	vperm.xlane v3, v2;
	v4 =	vadd.s32 v1, v4;
	_ =	sdelay $0x1  }
0x145: {  	v3 =	vadd.s32 v1, v3;
	_ =	sdelay $0x2  }
0x146: {  	[tilespmem:s18], [sflag:$0x1] =	stream.indirect_vreg.gather [hbm4b:s1+s3], $0x80, v4, vm0, $0xb8;
	[tilespmem:$0x8080] =	vst v63  }
0x147: {  	_ = 	snop  }
0x148: {  	[tilespmem:s19], [sflag:$0x1] =	stream.indirect_vreg.gather [hbm4b:s1+s3], $0x80, v3, vm0, $0xb8;
	[tilespmem:$0x8080] =	vst v63  }
0x149: {  	v3 =	vld [tilespmem:$0x30];
	_ =	sdelay $0x4  }
0x14a: {  	v59 =	vshll.u32 v3, $0x1  }
0x14b: {  	v3 =	vand.u32 $0x7, v3;
	v4 =	vand.u32 $0xFFFFFFF0, v59  }
0x14c: {  	v3 =	vor.u32 v3, v4  }
0x14d: {  	v4 =	vperm.xlane v3, v0;
	_ =	sdelay $0x1  }
0x14e: {  	v3 =	vperm.xlane v3, v2;
	v4 =	vadd.s32 v1, v4;
	_ =	sdelay $0x1  }
0x14f: {  	v3 =	vadd.s32 v1, v3;
	_ =	sdelay $0x2  }
0x150: {  	[tilespmem:s20], [sflag:$0x1] =	stream.indirect_vreg.gather [hbm4b:s1+s3], $0x80, v4, vm0, $0xb8;
	[tilespmem:$0x8080] =	vst v63  }
0x151: {  	_ = 	snop  }
0x152: {  	[tilespmem:s21], [sflag:$0x1] =	stream.indirect_vreg.gather [hbm4b:s1+s3], $0x80, v3, vm0, $0xb8;
	[tilespmem:$0x8080] =	vst v63  }
0x153: {  	v3 =	vld [tilespmem:$0x40];
	_ =	sdelay $0x4  }
0x154: {  	v60 =	vshll.u32 v3, $0x1  }
0x155: {  	v3 =	vand.u32 $0x7, v3;
	v4 =	vand.u32 $0xFFFFFFF0, v60  }
0x156: {  	v3 =	vor.u32 v3, v4  }
0x157: {  	v4 =	vperm.xlane v3, v0;
	_ =	sdelay $0x1  }
0x158: {  	v3 =	vperm.xlane v3, v2;
	v4 =	vadd.s32 v1, v4;
	_ =	sdelay $0x1  }
0x159: {  	v3 =	vadd.s32 v1, v3;
	_ =	sdelay $0x2  }
0x15a: {  	[tilespmem:s22], [sflag:$0x1] =	stream.indirect_vreg.gather [hbm4b:s1+s3], $0x80, v4, vm0, $0xb8;
	[tilespmem:$0x8080] =	vst v63  }
0x15b: {  	_ = 	snop  }
0x15c: {  	[tilespmem:s23], [sflag:$0x1] =	stream.indirect_vreg.gather [hbm4b:s1+s3], $0x80, v3, vm0, $0xb8;
	[tilespmem:$0x8080] =	vst v63  }
0x15d: {  	v3 =	vld [tilespmem:$0x50];
	_ =	sdelay $0x4  }
0x15e: {  	v61 =	vshll.u32 v3, $0x1  }
0x15f: {  	v3 =	vand.u32 $0x7, v3;
	v4 =	vand.u32 $0xFFFFFFF0, v61  }
0x160: {  	v3 =	vor.u32 v3, v4  }
0x161: {  	v4 =	vperm.xlane v3, v0;
	_ =	sdelay $0x1  }
0x162: {  	v3 =	vperm.xlane v3, v2;
	v4 =	vadd.s32 v1, v4;
	_ =	sdelay $0x1  }
0x163: {  	v3 =	vadd.s32 v1, v3;
	_ =	sdelay $0x2  }
0x164: {  	[tilespmem:s24], [sflag:$0x1] =	stream.indirect_vreg.gather [hbm4b:s1+s3], $0x80, v4, vm0, $0xb8;
	[tilespmem:$0x8080] =	vst v63  }
0x165: {  	_ = 	snop  }
0x166: {  	[tilespmem:s25], [sflag:$0x1] =	stream.indirect_vreg.gather [hbm4b:s1+s3], $0x80, v3, vm0, $0xb8;
	[tilespmem:$0x8080] =	vst v63  }
0x167: {  	v3 =	vld [tilespmem:$0x60];
	_ =	sdelay $0x4  }
0x168: {  	v62 =	vshll.u32 v3, $0x1  }
0x169: {  	v3 =	vand.u32 $0x7, v3;
	v4 =	vand.u32 $0xFFFFFFF0, v62  }
0x16a: {  	v3 =	vor.u32 v3, v4  }
0x16b: {  	v4 =	vperm.xlane v3, v0;
	_ =	sdelay $0x1  }
0x16c: {  	v3 =	vperm.xlane v3, v2;
	v4 =	vadd.s32 v1, v4;
	_ =	sdelay $0x1  }
0x16d: {  	v3 =	vadd.s32 v1, v3;
	_ =	sdelay $0x2  }
0x16e: {  	[tilespmem:s26], [sflag:$0x1] =	stream.indirect_vreg.gather [hbm4b:s1+s3], $0x80, v4, vm0, $0xb8;
	[tilespmem:$0x8080] =	vst v63  }
0x16f: {  	_ = 	snop  }
0x170: {  	[tilespmem:s28], [sflag:$0x1] =	stream.indirect_vreg.gather [hbm4b:s1+s3], $0x80, v3, vm0, $0xb8;
	[tilespmem:$0x8080] =	vst v63  }
0x171: {  	v3 =	vld [tilespmem:$0x70];
	_ =	sdelay $0x4  }
0x172: {  	v63 =	vshll.u32 v3, $0x1  }
0x173: {  	v3 =	vand.u32 $0x7, v3;
	v4 =	vand.u32 $0xFFFFFFF0, v63  }
0x174: {  	v3 =	vor.u32 v3, v4  }
0x175: {  	v4 =	vperm.xlane v3, v0;
	_ =	sdelay $0x1  }
0x176: {  	v3 =	vperm.xlane v3, v2;
	v4 =	vadd.s32 v1, v4;
	_ =	sdelay $0x1  }
0x177: {  	v3 =	vadd.s32 v1, v3;
	_ =	sdelay $0x2  }
0x178: {  	[tilespmem:s29], [sflag:$0x1] =	stream.indirect_vreg.gather [hbm4b:s1+s3], $0x80, v4, vm0, $0xb8;
	[tilespmem:$0x8080] =	vst v63  }
0x179: {  	_ = 	snop  }
0x17a: {  	[tilespmem:s30], [sflag:$0x1] =	stream.indirect_vreg.gather [hbm4b:s1+s3], $0x80, v3, vm0, $0xb8;
	[tilespmem:$0x8080] =	vst v63  }
0x17b: {  	_ =	swait.ge [sflag:s31], $0x8000  }
0x17c: {  	p0 =	sne.s32 s12, $0x1;
	[sflag:s31] =	ssyncset.done $0x0  }
.Ltmp0:
0x17d: {  	[sflag:s31] =	ssyncadd.s32 $0xFFFF8000;
	(pc) =	sbr.rel @p0 .LBB2_1-.Ltmp0, $4  }
0x17e: {  	[hbm4b:s11+s3] =	stream.linear.scatter [tilespmem:s14], [sflag:$0x2], $0x8000, $0x38;
	[tilespmem:$0x8080] =	vst v63  }
0x17f: {  	_ =	swait.ge [sflag:s13], $0x8000  }
0x180: {  	[sflag:s13] =	ssyncset.done $0x0  }
0x181: {  	s12 =	sadd.s32 $0xFFFFFFFF, s12;
	[sflag:s13] =	ssyncadd.s32 $0xFFFF8000  }
0x182: {  	_ =	sfence.sel $0x180000  }
0x183: {  	[bflag:$0x0] =	sbarrier.arrive $0xFFFF  }
0x184: {  	p0 =	sne.s32 s2, $0x0;
	_ =	strace $0x90000047  }
0x185: {  	s0 =	sadd.s32 @!p0 $0x100000, s0;
	[bflag:$0x2] =	sbarrier.arrive $0xFFFF  }
0x186: {  	[sflag:s0] =	ssyncadd.tile.s32 @!p0 $0x1;
	_ =	shalt  }
.Lfunc_end2:
_tile_overlayer_lowered:
.L_overlay_start_2:
0x187: {  	(tag) =	ssettag $0x2  }
0x188: {  	s0 =	rddreg [dreg:$0x0];
	s2 =	stileid.u32  }
0x189: {  	s1 =	rddreg [dreg:$0x1];
	p0 =	sne.s32 s2, $0x0  }
0x18a: {  	s3 =	rddreg [dreg:$0x2];
	[bflag:$0x3] =	sbarrier.arrive $0xFFFF;
	s2 =	simm.s32 @!p0 $0x1C02  }
0x18b: {  	[timem:s3], [sflag:s2] =	dma.local @!p0 [hbm:s0], s1  }
0x18c: {  	s0 =	simm.s32 @!p0 $0x2  }
0x18d: {  	_ =	swait.ge @!p0 [sflag:s0], s1  }
0x18e: {  	s1 =	ssub.s32 @!p0 $0x0, s1;
	[sflag:s0] =	ssyncset.done @!p0 $0x0  }
0x18f: {  	[sflag:s0] =	ssyncadd.s32 @!p0 s1  }
0x190: {  	[bflag:$0x3] =	sbarrier.arrive $0xFFFF  }
0x191: {  	_ =	shalt  }

</sc_bundles>
